<compile_context>
chip_gen: v7x
topology: tpu7x:2x2x1
jax: 0.10.2.dev20260603
libtpu: 0.0.44.dev20260713+nightly
codegen_flags: <defaults>
</compile_context>

<pallas_src>
import functools

import jax
import jax.numpy as jnp
from jax import lax
from jax.experimental import pallas as pl
from jax.experimental.pallas import tpu as pltpu
from jax.experimental.pallas import tpu_sc as plsc

D = 64
SEQ = 200
BATCH = 4096
VOCAB = 1000000
NC, NS, L = 2, 16, 16
NW = NC * NS
ST = SEQ // 8
BT = BATCH // 128
ITEMS_PER_W = ST * BT // NW
NCH = VOCAB // 128
CH_PER_W = (NCH + NW - 1) // NW

_SC_PARAMS = pltpu.CompilerParams(
    use_tc_tiling_on_sc=True, needs_layout_passes=False
)


@jax.jit
def _sc_prep(lutT, tailD):
    mesh = plsc.VectorSubcoreMesh(core_axis_name="c", subcore_axis_name="s")

    @functools.partial(
        pl.kernel,
        out_type=jax.ShapeDtypeStruct((VOCAB, 2 * D), jnp.float32),
        mesh=mesh,
        scratch_types=[
            pltpu.VMEM((D, 128), jnp.float32),
            pltpu.VMEM((D, 128), jnp.float32),
            pltpu.VMEM((128, 2 * D), jnp.float32),
            pltpu.VMEM((128, 2 * D), jnp.float32),
            pltpu.VMEM((8192,), jnp.int32),
            pltpu.VMEM((8192,), jnp.int32),
            pltpu.SemaphoreType.DMA,
            pltpu.SemaphoreType.DMA,
            pltpu.SemaphoreType.DMA,
            pltpu.SemaphoreType.DMA,
        ],
        compiler_params=_SC_PARAMS,
    )
    def body(lutT_hbm, tailD_hbm, out_hbm, i0, i1, o0, o1, ta, tb,
             gi0, gi1, so0, so1):
        wid = lax.axis_index("s") * NC + lax.axis_index("c")
        ib = (i0, i1)
        ob = (o0, o1)
        gi = (gi0, gi1)
        so = (so0, so1)
        io16 = lax.iota(jnp.int32, L)

        @plsc.parallel_loop(0, 512)
        def _(t):
            sl = pl.ds(t * L, L)
            vb = (t >> 4) & 7
            fb = t >> 7
            ta[sl] = vb * 16 + io16
            tb[sl] = fb * 16 + ((io16 + t) & 15)

        def fire(c, p):
            pltpu.async_copy(
                lutT_hbm.at[:, pl.ds(128 * c, 128)], ib[p], gi[p]
            )

        def in_wait(p):
            pltpu.make_async_copy(
                lutT_hbm.at[:, pl.ds(0, 128)], ib[p], gi[p]
            ).wait()

        def out_wait(p):
            pltpu.make_async_copy(
                ob[p], out_hbm.at[pl.ds(0, 128)], so[p]
            ).wait()

        def transpose(p):
            @plsc.parallel_loop(0, 512, unroll=4)
            def _(t):
                sl = pl.ds(t * L, L)
                a = ta[sl]
                b = tb[sl]
                v = plsc.load_gather(ib[p], [b, a]) * 8.0
                plsc.store_scatter(ob[p], [a, b], v)
                plsc.store_scatter(ob[p], [a, b + D], v)

        @pl.when(wid < NCH)
        def _():
            fire(wid, 0)

        @pl.when(wid + NW < NCH)
        def _():
            fire(wid + NW, 1)

        def pair_body(g, carry):
            for p in range(2):
                k = 2 * g + p
                c = wid + NW * k

                @pl.when(c < NCH)
                def _():
                    in_wait(p)

                    @pl.when(k > 1)
                    def _():
                        out_wait(p)

                    transpose(p)
                    pltpu.async_copy(
                        ob[p], out_hbm.at[pl.ds(128 * c, 128)], so[p]
                    )

                    @pl.when(c + 2 * NW < NCH)
                    def _():
                        fire(c + 2 * NW, p)

            return carry

        lax.fori_loop(0, (CH_PER_W + 1) // 2, pair_body, jnp.int32(0))
        out_wait(0)
        out_wait(1)

        @pl.when(wid == 0)
        def _():
            pltpu.sync_copy(tailD_hbm, o0.at[pl.ds(0, 64)])
            pltpu.sync_copy(o0.at[pl.ds(0, 64)], out_hbm.at[pl.ds(128 * NCH, 64)])

    return body(lutT, tailD)


@jax.jit
def _sc_embed(textT, lutD):
    mesh = plsc.VectorSubcoreMesh(core_axis_name="c", subcore_axis_name="s")

    @functools.partial(
        pl.kernel,
        out_type=jax.ShapeDtypeStruct((SEQ, D, BATCH), jnp.float32),
        mesh=mesh,
        scratch_types=[
            pltpu.VMEM((8, 128), jnp.int32),
            pltpu.VMEM((128, 128), jnp.float32),
            pltpu.VMEM((128, 128), jnp.float32),
            pltpu.VMEM((128, 128), jnp.float32),
            pltpu.VMEM((128, 128), jnp.float32),
            pltpu.VMEM((D, 128), jnp.float32),
            pltpu.VMEM((D, 128), jnp.float32),
            pltpu.VMEM((8192,), jnp.int32),
            pltpu.VMEM((8192,), jnp.int32),
            pltpu.SemaphoreType.DMA,
            pltpu.SemaphoreType.DMA,
            pltpu.SemaphoreType.DMA,
            pltpu.SemaphoreType.DMA,
            pltpu.SemaphoreType.DMA,
            pltpu.SemaphoreType.DMA,
        ],
        compiler_params=_SC_PARAMS,
    )
    def body(textT_hbm, lutD_hbm, outT_hbm, idxt,
             g0, g1, g2, g3, o0, o1, ta, tb,
             gs0, gs1, gs2, gs3, ss0, ss1):
        wid = lax.axis_index("s") * NC + lax.axis_index("c")
        gb = (g0, g1, g2, g3)
        ob = (o0, o1)
        gs = (gs0, gs1, gs2, gs3)
        ss = (ss0, ss1)
        io16 = lax.iota(jnp.int32, L)

        @plsc.parallel_loop(0, 512)
        def _(t):
            sl = pl.ds(t * L, L)
            bb = (t >> 4) & 7
            fb = t >> 7
            ta[sl] = bb * 16 + io16
            tb[sl] = fb * 16 + ((io16 + t) & 15)

        def fire(s8, p):
            pltpu.async_copy(lutD_hbm.at[idxt.at[s8]], gb[p], gs[p])

        def gather_wait(s8, p):
            pltpu.make_async_copy(lutD_hbm.at[idxt.at[s8]], gb[p], gs[p]).wait()

        def store_wait(p):
            pltpu.make_async_copy(
                ob[p], outT_hbm.at[0, :, pl.ds(0, 128)], ss[p]
            ).wait()

        def repack(p, po):
            @plsc.parallel_loop(0, 512, unroll=4)
            def _(t):
                sl = pl.ds(t * L, L)
                a = ta[sl]
                b = tb[sl]
                plsc.store_scatter(
                    ob[po], [b, a], plsc.load_gather(gb[p], [a, b])
                )

        def item_body(k, started):
            item = wid * ITEMS_PER_W + k
            st = item // BT
            bt = item % BT
            pltpu.sync_copy(
                textT_hbm.at[pl.ds(8 * st, 8), pl.ds(128 * bt, 128)], idxt
            )
            for s8 in range(4):
                fire(s8, s8)
            for s8 in range(8):
                p = s8 % 4
                po = s8 % 2
                gather_wait(s8, p)

                @pl.when(started * 8 + s8 > 1)
                def _():
                    store_wait(po)

                repack(p, po)
                pltpu.async_copy(
                    ob[po],
                    outT_hbm.at[8 * st + s8, :, pl.ds(128 * bt, 128)],
                    ss[po],
                )
                if s8 < 4:
                    fire(s8 + 4, p)
            return jnp.int32(1)

        lax.fori_loop(0, ITEMS_PER_W, item_body, jnp.int32(0))
        store_wait(0)
        store_wait(1)

    return body(textT, lutD)


def kernel(text, lut):
    tailD = jnp.tile(lut[VOCAB - 64:] * 8.0, (1, 2))
    lutD = _sc_prep(lut.T, tailD)
    outT = _sc_embed(text.T, lutD)
    return outT.transpose(2, 0, 1)

# --- scband reference (transcript-rebuilt; emitter-appended) ---
"""Pipeline reference for scband-textual-encoder-23416161698407 (READ-ONLY COPY).

The authoritative reference and input builder live on the scoring server;
editing this copy changes nothing except your own understanding.
"""

import jax, jax.numpy as jnp
import numpy as np
import math

D_MODEL = 64
VOCAB = 1000000
BATCH = 4096
SEQ = 200

def setup_inputs(seed: int = 0) -> dict:
    key = jax.random.key(seed)
    k1, k2 = jax.random.split(key)
    text = jax.random.randint(k1, (BATCH, SEQ), 0, VOCAB, dtype=jnp.int64 if jax.config.jax_enable_x64 else jnp.int32)
    lut = jax.random.normal(k2, (VOCAB, D_MODEL), dtype=jnp.float32)
    return {"text": text, "lut": lut}

def reference(text, lut):
    # Embeddings.forward: self.lut(x) * math.sqrt(self.d_model)
    emb = jnp.take(lut, text, axis=0)
    return emb * math.sqrt(D_MODEL)

if __name__ == "__main__":
    import jax
    _d = setup_inputs()
    print(jax.jit(kernel)(*tuple(_d.values())))

</pallas_src>

<mosaic_0001>
#map = affine_map<(d0, d1) -> (0, 0)>
module attributes {stable_mosaic.version = 14 : i64} {
  func.func @body(%arg0: i32, %arg1: i32, %arg2: memref<64x1000000xf32, #tpu.memory_space<hbm>>, %arg3: memref<64x128xf32, #tpu.memory_space<hbm>>, %arg4: memref<1000000x128xf32, #tpu.memory_space<hbm>>, %arg5: memref<64x128xf32, #tpu.memory_space<vmem>>, %arg6: memref<64x128xf32, #tpu.memory_space<vmem>>, %arg7: memref<128x128xf32, #tpu.memory_space<vmem>>, %arg8: memref<128x128xf32, #tpu.memory_space<vmem>>, %arg9: memref<8192xi32, #tpu.memory_space<vmem>>, %arg10: memref<8192xi32, #tpu.memory_space<vmem>>, %arg11: memref<!tpu.dma_semaphore, #tpu.memory_space<semaphore_mem>>, %arg12: memref<!tpu.dma_semaphore, #tpu.memory_space<semaphore_mem>>, %arg13: memref<!tpu.dma_semaphore, #tpu.memory_space<semaphore_mem>>, %arg14: memref<!tpu.dma_semaphore, #tpu.memory_space<semaphore_mem>>) attributes {dimension_semantics = [#tpu.dimension_semantics<core_parallel>, #tpu.dimension_semantics<subcore_parallel>], iteration_bounds = array<i64: 2, 16>, scalar_prefetch = 0 : i64, scratch_operands = 10 : i64, tpu.core_type = #tpu.core_type<sc_vector_subcore>, window_params = [{transform_indices = #map}, {transform_indices = #map}, {transform_indices = #map}]} {
    %mul3A = arith.constant 2 : i32
    %mul3A_0 = arith.muli %arg1, %mul3A : i32
    %add3A = arith.addi %mul3A_0, %arg0 : i32
    %iota3A = tpu.iota {dimensions = array<i32: 0>} : vector<16xi32>
    %parallel_loop3A = arith.constant 0 : i32
    %parallel_loop3A_1 = arith.constant 512 : i32
    %parallel_loop3A_2 = arith.constant 1 : i32
    scf.for %parallel_loop3A_32 = %parallel_loop3A to %parallel_loop3A_1 step %parallel_loop3A_2  : i32 {
      %parallel_loop3A_33 = arith.constant 16 : i32
      %parallel_loop3A_34 = arith.muli %parallel_loop3A_32, %parallel_loop3A_33 : i32
      %parallel_loop3A_35 = arith.constant 4 : i32
      %parallel_loop3A_36 = arith.shrsi %parallel_loop3A_32, %parallel_loop3A_35 : i32
      %parallel_loop3A_37 = arith.constant 7 : i32
      %parallel_loop3A_38 = arith.andi %parallel_loop3A_36, %parallel_loop3A_37 : i32
      %parallel_loop3A_39 = arith.constant 7 : i32
      %parallel_loop3A_40 = arith.shrsi %parallel_loop3A_32, %parallel_loop3A_39 : i32
      %parallel_loop3A_41 = arith.constant 16 : i32
      %parallel_loop3A_42 = arith.muli %parallel_loop3A_38, %parallel_loop3A_41 : i32
      %parallel_loop3A_43 = vector.broadcast %parallel_loop3A_42 : i32 to vector<16xi32>
      %parallel_loop3A_44 = arith.addi %parallel_loop3A_43, %iota3A : vector<16xi32>
      %parallel_loop3A_45 = arith.index_cast %parallel_loop3A_34 : i32 to index
      %parallel_loop3A_46 = tpu.vector_load %arg9[%parallel_loop3A_45] {strides = array<i32>} : memref<8192xi32, #tpu.memory_space<vmem>>, vector<16xi32>,
      tpu.vector_store %arg9[%parallel_loop3A_45], %parallel_loop3A_44 {strides = array<i32>} : memref<8192xi32, #tpu.memory_space<vmem>>, vector<16xi32>,
      %parallel_loop3A_47 = arith.constant 16 : i32
      %parallel_loop3A_48 = arith.muli %parallel_loop3A_40, %parallel_loop3A_47 : i32
      %parallel_loop3A_49 = vector.broadcast %parallel_loop3A_32 : i32 to vector<16xi32>
      %parallel_loop3A_50 = arith.addi %iota3A, %parallel_loop3A_49 : vector<16xi32>
      %parallel_loop3A_51 = arith.constant 15 : i32
      %parallel_loop3A_52 = vector.broadcast %parallel_loop3A_51 : i32 to vector<16xi32>
      %parallel_loop3A_53 = arith.andi %parallel_loop3A_50, %parallel_loop3A_52 : vector<16xi32>
      %parallel_loop3A_54 = vector.broadcast %parallel_loop3A_48 : i32 to vector<16xi32>
      %parallel_loop3A_55 = arith.addi %parallel_loop3A_54, %parallel_loop3A_53 : vector<16xi32>
      %parallel_loop3A_56 = arith.index_cast %parallel_loop3A_34 : i32 to index
      %parallel_loop3A_57 = tpu.vector_load %arg10[%parallel_loop3A_56] {strides = array<i32>} : memref<8192xi32, #tpu.memory_space<vmem>>, vector<16xi32>,
      tpu.vector_store %arg10[%parallel_loop3A_56], %parallel_loop3A_55 {strides = array<i32>} : memref<8192xi32, #tpu.memory_space<vmem>>, vector<16xi32>,
    } {sc.loop_unroll_factor = 1 : i64, sc.parallel_access}
    %lt3A = arith.constant 7812 : i32
    %lt3A_3 = arith.cmpi slt, %add3A, %lt3A : i32
    %convert_element_type3A = arith.extui %lt3A_3 : i1 to i32
    %cond3A = arith.constant 0 : i32
    %cond3A_4 = arith.cmpi ne, %convert_element_type3A, %cond3A : i32
    scf.if %cond3A_4 {
      %mul3A_32 = arith.constant 128 : i32
      %mul3A_33 = arith.muli %mul3A_32, %add3A : i32
      %dma_start3A = arith.constant 0 : i32
      %dma_start3A_34 = tpu.memref_slice %arg2[%dma_start3A, %mul3A_33] : memref<64x1000000xf32, #tpu.memory_space<hbm>> -> memref<64x128xf32, #tpu.memory_space<hbm>>
      %dma_start3A_35 = arith.constant 0 : i32
      %dma_start3A_36 = tpu.memref_slice %arg2[%dma_start3A_35, %mul3A_33] : memref<64x1000000xf32, #tpu.memory_space<hbm>> -> memref<64x128xf32, #tpu.memory_space<hbm>>
      tpu.enqueue_dma source(%dma_start3A_36 : memref<64x128xf32, #tpu.memory_space<hbm>>) target(%arg5 : memref<64x128xf32, #tpu.memory_space<vmem>>) target_semaphore(%arg11 : memref<!tpu.dma_semaphore, #tpu.memory_space<semaphore_mem>>)
    } else {
    }
    %add3A_5 = arith.constant 32 : i32
    %add3A_6 = arith.addi %add3A, %add3A_5 : i32
    %lt3A_7 = arith.constant 7812 : i32
    %lt3A_8 = arith.cmpi slt, %add3A_6, %lt3A_7 : i32
    %convert_element_type3A_9 = arith.extui %lt3A_8 : i1 to i32
    %cond3A_10 = arith.constant 0 : i32
    %cond3A_11 = arith.cmpi ne, %convert_element_type3A_9, %cond3A_10 : i32
    scf.if %cond3A_11 {
      %add3A_32 = arith.constant 32 : i32
      %add3A_33 = arith.addi %add3A, %add3A_32 : i32
      %mul3A_34 = arith.constant 128 : i32
      %mul3A_35 = arith.muli %mul3A_34, %add3A_33 : i32
      %dma_start3A = arith.constant 0 : i32
      %dma_start3A_36 = tpu.memref_slice %arg2[%dma_start3A, %mul3A_35] : memref<64x1000000xf32, #tpu.memory_space<hbm>> -> memref<64x128xf32, #tpu.memory_space<hbm>>
      %dma_start3A_37 = arith.constant 0 : i32
      %dma_start3A_38 = tpu.memref_slice %arg2[%dma_start3A_37, %mul3A_35] : memref<64x1000000xf32, #tpu.memory_space<hbm>> -> memref<64x128xf32, #tpu.memory_space<hbm>>
      tpu.enqueue_dma source(%dma_start3A_38 : memref<64x128xf32, #tpu.memory_space<hbm>>) target(%arg6 : memref<64x128xf32, #tpu.memory_space<vmem>>) target_semaphore(%arg12 : memref<!tpu.dma_semaphore, #tpu.memory_space<semaphore_mem>>)
    } else {
    }
    %scan3A = arith.constant 0 : i32
    %scan3A_12 = arith.constant 0 : i32
    %scan3A_13 = arith.constant 123 : i32
    %scan3A_14 = arith.addi %scan3A_12, %scan3A_13 : i32
    %scan3A_15 = arith.constant 1 : i32
    scf.for %scan3A_32 = %scan3A_12 to %scan3A_14 step %scan3A_15  : i32 {
      %mul3A_33 = arith.constant 2 : i32
      %mul3A_34 = arith.muli %mul3A_33, %scan3A_32 : i32
      %add3A_35 = arith.constant 0 : i32
      %add3A_36 = arith.addi %mul3A_34, %add3A_35 : i32
      %mul3A_37 = arith.constant 32 : i32
      %mul3A_38 = arith.muli %mul3A_37, %add3A_36 : i32
      %add3A_39 = arith.addi %add3A, %mul3A_38 : i32
      %lt3A_40 = arith.constant 7812 : i32
      %lt3A_41 = arith.cmpi slt, %add3A_39, %lt3A_40 : i32
      %convert_element_type3A_42 = arith.extui %lt3A_41 : i1 to i32
      %cond3A_43 = arith.constant 0 : i32
      %cond3A_44 = arith.cmpi ne, %convert_element_type3A_42, %cond3A_43 : i32
      scf.if %cond3A_44 {
        %dma_wait3A_57 = arith.constant 0 : i32
        %dma_wait3A_58 = arith.constant 0 : i32
        %dma_wait3A_59 = tpu.memref_slice %arg2[%dma_wait3A_57, %dma_wait3A_58] : memref<64x1000000xf32, #tpu.memory_space<hbm>> -> memref<64x128xf32, #tpu.memory_space<hbm>>
        %dma_wait3A_60 = arith.constant 0 : i32
        %dma_wait3A_61 = arith.constant 0 : i32
        %dma_wait3A_62 = tpu.memref_slice %arg2[%dma_wait3A_60, %dma_wait3A_61] : memref<64x1000000xf32, #tpu.memory_space<hbm>> -> memref<64x128xf32, #tpu.memory_space<hbm>>
        tpu.wait_dma2 semaphore(%arg11 : memref<!tpu.dma_semaphore, #tpu.memory_space<semaphore_mem>>) src(%dma_wait3A_62 : memref<64x128xf32, #tpu.memory_space<hbm>>) dst(%arg5 : memref<64x128xf32, #tpu.memory_space<vmem>>)
        %gt3A = arith.constant 1 : i32
        %gt3A_63 = arith.cmpi sgt, %add3A_36, %gt3A : i32
        %convert_element_type3A_64 = arith.extui %gt3A_63 : i1 to i32
        %cond3A_65 = arith.constant 0 : i32
        %cond3A_66 = arith.cmpi ne, %convert_element_type3A_64, %cond3A_65 : i32
        scf.if %cond3A_66 {
          %dma_wait3A_82 = arith.constant 0 : i32
          %dma_wait3A_83 = arith.constant 0 : i32
          %dma_wait3A_84 = tpu.memref_slice %arg4[%dma_wait3A_82, %dma_wait3A_83] : memref<1000000x128xf32, #tpu.memory_space<hbm>> -> memref<128x128xf32, #tpu.memory_space<hbm>>
          %dma_wait3A_85 = arith.constant 0 : i32
          %dma_wait3A_86 = arith.constant 0 : i32
          %dma_wait3A_87 = tpu.memref_slice %arg4[%dma_wait3A_85, %dma_wait3A_86] : memref<1000000x128xf32, #tpu.memory_space<hbm>> -> memref<128x128xf32, #tpu.memory_space<hbm>>
          tpu.wait_dma2 semaphore(%arg13 : memref<!tpu.dma_semaphore, #tpu.memory_space<semaphore_mem>>) src(%arg7 : memref<128x128xf32, #tpu.memory_space<vmem>>) dst(%dma_wait3A_87 : memref<128x128xf32, #tpu.memory_space<hbm>>)
        } else {
        }
        %parallel_loop3A_67 = arith.constant 0 : i32
        %parallel_loop3A_68 = arith.constant 512 : i32
        %parallel_loop3A_69 = arith.constant 1 : i32
        scf.for %parallel_loop3A_82 = %parallel_loop3A_67 to %parallel_loop3A_68 step %parallel_loop3A_69  : i32 {
          %parallel_loop3A_83 = arith.constant 16 : i32
          %parallel_loop3A_84 = arith.muli %parallel_loop3A_82, %parallel_loop3A_83 : i32
          %parallel_loop3A_85 = arith.index_cast %parallel_loop3A_84 : i32 to index
          %parallel_loop3A_86 = tpu.vector_load %arg9[%parallel_loop3A_85] {strides = array<i32>} : memref<8192xi32, #tpu.memory_space<vmem>>, vector<16xi32>,
          %parallel_loop3A_87 = arith.index_cast %parallel_loop3A_84 : i32 to index
          %parallel_loop3A_88 = tpu.vector_load %arg10[%parallel_loop3A_87] {strides = array<i32>} : memref<8192xi32, #tpu.memory_space<vmem>>, vector<16xi32>,
          %parallel_loop3A_89 = tpu.vector_load_idx %arg5[%parallel_loop3A_88, %parallel_loop3A_86] : memref<64x128xf32, #tpu.memory_space<vmem>>[vector<16xi32>, vector<16xi32>], vector<16xf32>,
          %parallel_loop3A_90 = arith.constant 8.000000e+00 : f32
          %parallel_loop3A_91 = vector.broadcast %parallel_loop3A_90 : f32 to vector<16xf32>
          %parallel_loop3A_92 = arith.mulf %parallel_loop3A_89, %parallel_loop3A_91 : vector<16xf32>
          tpu.vector_store_idx %arg7[%parallel_loop3A_86, %parallel_loop3A_88], %parallel_loop3A_92 : memref<128x128xf32, #tpu.memory_space<vmem>>[vector<16xi32>, vector<16xi32>], vector<16xf32>,
          %parallel_loop3A_93 = arith.constant 64 : i32
          %parallel_loop3A_94 = vector.broadcast %parallel_loop3A_93 : i32 to vector<16xi32>
          %parallel_loop3A_95 = arith.addi %parallel_loop3A_88, %parallel_loop3A_94 : vector<16xi32>
          tpu.vector_store_idx %arg7[%parallel_loop3A_86, %parallel_loop3A_95], %parallel_loop3A_92 : memref<128x128xf32, #tpu.memory_space<vmem>>[vector<16xi32>, vector<16xi32>], vector<16xf32>,
        } {sc.loop_unroll_factor = 4 : i64, sc.parallel_access}
        %mul3A_70 = arith.constant 128 : i32
        %mul3A_71 = arith.muli %mul3A_70, %add3A_39 : i32
        %dma_start3A = arith.constant 0 : i32
        %dma_start3A_72 = tpu.memref_slice %arg4[%mul3A_71, %dma_start3A] : memref<1000000x128xf32, #tpu.memory_space<hbm>> -> memref<128x128xf32, #tpu.memory_space<hbm>>
        %dma_start3A_73 = arith.constant 0 : i32
        %dma_start3A_74 = tpu.memref_slice %arg4[%mul3A_71, %dma_start3A_73] : memref<1000000x128xf32, #tpu.memory_space<hbm>> -> memref<128x128xf32, #tpu.memory_space<hbm>>
        tpu.enqueue_dma source(%arg7 : memref<128x128xf32, #tpu.memory_space<vmem>>) target(%dma_start3A_74 : memref<128x128xf32, #tpu.memory_space<hbm>>) target_semaphore(%arg13 : memref<!tpu.dma_semaphore, #tpu.memory_space<semaphore_mem>>)
        %add3A_75 = arith.constant 64 : i32
        %add3A_76 = arith.addi %add3A_39, %add3A_75 : i32
        %lt3A_77 = arith.constant 7812 : i32
        %lt3A_78 = arith.cmpi slt, %add3A_76, %lt3A_77 : i32
        %convert_element_type3A_79 = arith.extui %lt3A_78 : i1 to i32
        %cond3A_80 = arith.constant 0 : i32
        %cond3A_81 = arith.cmpi ne, %convert_element_type3A_79, %cond3A_80 : i32
        scf.if %cond3A_81 {
          %add3A_82 = arith.constant 64 : i32
          %add3A_83 = arith.addi %add3A_39, %add3A_82 : i32
          %mul3A_84 = arith.constant 128 : i32
          %mul3A_85 = arith.muli %mul3A_84, %add3A_83 : i32
          %dma_start3A_86 = arith.constant 0 : i32
          %dma_start3A_87 = tpu.memref_slice %arg2[%dma_start3A_86, %mul3A_85] : memref<64x1000000xf32, #tpu.memory_space<hbm>> -> memref<64x128xf32, #tpu.memory_space<hbm>>
          %dma_start3A_88 = arith.constant 0 : i32
          %dma_start3A_89 = tpu.memref_slice %arg2[%dma_start3A_88, %mul3A_85] : memref<64x1000000xf32, #tpu.memory_space<hbm>> -> memref<64x128xf32, #tpu.memory_space<hbm>>
          tpu.enqueue_dma source(%dma_start3A_89 : memref<64x128xf32, #tpu.memory_space<hbm>>) target(%arg5 : memref<64x128xf32, #tpu.memory_space<vmem>>) target_semaphore(%arg11 : memref<!tpu.dma_semaphore, #tpu.memory_space<semaphore_mem>>)
        } else {
        }
      } else {
      }
      %mul3A_45 = arith.constant 2 : i32
      %mul3A_46 = arith.muli %mul3A_45, %scan3A_32 : i32
      %add3A_47 = arith.constant 1 : i32
      %add3A_48 = arith.addi %mul3A_46, %add3A_47 : i32
      %mul3A_49 = arith.constant 32 : i32
      %mul3A_50 = arith.muli %mul3A_49, %add3A_48 : i32
      %add3A_51 = arith.addi %add3A, %mul3A_50 : i32
      %lt3A_52 = arith.constant 7812 : i32
      %lt3A_53 = arith.cmpi slt, %add3A_51, %lt3A_52 : i32
      %convert_element_type3A_54 = arith.extui %lt3A_53 : i1 to i32
      %cond3A_55 = arith.constant 0 : i32
      %cond3A_56 = arith.cmpi ne, %convert_element_type3A_54, %cond3A_55 : i32
      scf.if %cond3A_56 {
        %dma_wait3A_57 = arith.constant 0 : i32
        %dma_wait3A_58 = arith.constant 0 : i32
        %dma_wait3A_59 = tpu.memref_slice %arg2[%dma_wait3A_57, %dma_wait3A_58] : memref<64x1000000xf32, #tpu.memory_space<hbm>> -> memref<64x128xf32, #tpu.memory_space<hbm>>
        %dma_wait3A_60 = arith.constant 0 : i32
        %dma_wait3A_61 = arith.constant 0 : i32
        %dma_wait3A_62 = tpu.memref_slice %arg2[%dma_wait3A_60, %dma_wait3A_61] : memref<64x1000000xf32, #tpu.memory_space<hbm>> -> memref<64x128xf32, #tpu.memory_space<hbm>>
        tpu.wait_dma2 semaphore(%arg12 : memref<!tpu.dma_semaphore, #tpu.memory_space<semaphore_mem>>) src(%dma_wait3A_62 : memref<64x128xf32, #tpu.memory_space<hbm>>) dst(%arg6 : memref<64x128xf32, #tpu.memory_space<vmem>>)
        %gt3A = arith.constant 1 : i32
        %gt3A_63 = arith.cmpi sgt, %add3A_48, %gt3A : i32
        %convert_element_type3A_64 = arith.extui %gt3A_63 : i1 to i32
        %cond3A_65 = arith.constant 0 : i32
        %cond3A_66 = arith.cmpi ne, %convert_element_type3A_64, %cond3A_65 : i32
        scf.if %cond3A_66 {
          %dma_wait3A_82 = arith.constant 0 : i32
          %dma_wait3A_83 = arith.constant 0 : i32
          %dma_wait3A_84 = tpu.memref_slice %arg4[%dma_wait3A_82, %dma_wait3A_83] : memref<1000000x128xf32, #tpu.memory_space<hbm>> -> memref<128x128xf32, #tpu.memory_space<hbm>>
          %dma_wait3A_85 = arith.constant 0 : i32
          %dma_wait3A_86 = arith.constant 0 : i32
          %dma_wait3A_87 = tpu.memref_slice %arg4[%dma_wait3A_85, %dma_wait3A_86] : memref<1000000x128xf32, #tpu.memory_space<hbm>> -> memref<128x128xf32, #tpu.memory_space<hbm>>
          tpu.wait_dma2 semaphore(%arg14 : memref<!tpu.dma_semaphore, #tpu.memory_space<semaphore_mem>>) src(%arg8 : memref<128x128xf32, #tpu.memory_space<vmem>>) dst(%dma_wait3A_87 : memref<128x128xf32, #tpu.memory_space<hbm>>)
        } else {
        }
        %parallel_loop3A_67 = arith.constant 0 : i32
        %parallel_loop3A_68 = arith.constant 512 : i32
        %parallel_loop3A_69 = arith.constant 1 : i32
        scf.for %parallel_loop3A_82 = %parallel_loop3A_67 to %parallel_loop3A_68 step %parallel_loop3A_69  : i32 {
          %parallel_loop3A_83 = arith.constant 16 : i32
          %parallel_loop3A_84 = arith.muli %parallel_loop3A_82, %parallel_loop3A_83 : i32
          %parallel_loop3A_85 = arith.index_cast %parallel_loop3A_84 : i32 to index
          %parallel_loop3A_86 = tpu.vector_load %arg9[%parallel_loop3A_85] {strides = array<i32>} : memref<8192xi32, #tpu.memory_space<vmem>>, vector<16xi32>,
          %parallel_loop3A_87 = arith.index_cast %parallel_loop3A_84 : i32 to index
          %parallel_loop3A_88 = tpu.vector_load %arg10[%parallel_loop3A_87] {strides = array<i32>} : memref<8192xi32, #tpu.memory_space<vmem>>, vector<16xi32>,
          %parallel_loop3A_89 = tpu.vector_load_idx %arg6[%parallel_loop3A_88, %parallel_loop3A_86] : memref<64x128xf32, #tpu.memory_space<vmem>>[vector<16xi32>, vector<16xi32>], vector<16xf32>,
          %parallel_loop3A_90 = arith.constant 8.000000e+00 : f32
          %parallel_loop3A_91 = vector.broadcast %parallel_loop3A_90 : f32 to vector<16xf32>
          %parallel_loop3A_92 = arith.mulf %parallel_loop3A_89, %parallel_loop3A_91 : vector<16xf32>
          tpu.vector_store_idx %arg8[%parallel_loop3A_86, %parallel_loop3A_88], %parallel_loop3A_92 : memref<128x128xf32, #tpu.memory_space<vmem>>[vector<16xi32>, vector<16xi32>], vector<16xf32>,
          %parallel_loop3A_93 = arith.constant 64 : i32
          %parallel_loop3A_94 = vector.broadcast %parallel_loop3A_93 : i32 to vector<16xi32>
          %parallel_loop3A_95 = arith.addi %parallel_loop3A_88, %parallel_loop3A_94 : vector<16xi32>
          tpu.vector_store_idx %arg8[%parallel_loop3A_86, %parallel_loop3A_95], %parallel_loop3A_92 : memref<128x128xf32, #tpu.memory_space<vmem>>[vector<16xi32>, vector<16xi32>], vector<16xf32>,
        } {sc.loop_unroll_factor = 4 : i64, sc.parallel_access}
        %mul3A_70 = arith.constant 128 : i32
        %mul3A_71 = arith.muli %mul3A_70, %add3A_51 : i32
        %dma_start3A = arith.constant 0 : i32
        %dma_start3A_72 = tpu.memref_slice %arg4[%mul3A_71, %dma_start3A] : memref<1000000x128xf32, #tpu.memory_space<hbm>> -> memref<128x128xf32, #tpu.memory_space<hbm>>
        %dma_start3A_73 = arith.constant 0 : i32
        %dma_start3A_74 = tpu.memref_slice %arg4[%mul3A_71, %dma_start3A_73] : memref<1000000x128xf32, #tpu.memory_space<hbm>> -> memref<128x128xf32, #tpu.memory_space<hbm>>
        tpu.enqueue_dma source(%arg8 : memref<128x128xf32, #tpu.memory_space<vmem>>) target(%dma_start3A_74 : memref<128x128xf32, #tpu.memory_space<hbm>>) target_semaphore(%arg14 : memref<!tpu.dma_semaphore, #tpu.memory_space<semaphore_mem>>)
        %add3A_75 = arith.constant 64 : i32
        %add3A_76 = arith.addi %add3A_51, %add3A_75 : i32
        %lt3A_77 = arith.constant 7812 : i32
        %lt3A_78 = arith.cmpi slt, %add3A_76, %lt3A_77 : i32
        %convert_element_type3A_79 = arith.extui %lt3A_78 : i1 to i32
        %cond3A_80 = arith.constant 0 : i32
        %cond3A_81 = arith.cmpi ne, %convert_element_type3A_79, %cond3A_80 : i32
        scf.if %cond3A_81 {
          %add3A_82 = arith.constant 64 : i32
          %add3A_83 = arith.addi %add3A_51, %add3A_82 : i32
          %mul3A_84 = arith.constant 128 : i32
          %mul3A_85 = arith.muli %mul3A_84, %add3A_83 : i32
          %dma_start3A_86 = arith.constant 0 : i32
          %dma_start3A_87 = tpu.memref_slice %arg2[%dma_start3A_86, %mul3A_85] : memref<64x1000000xf32, #tpu.memory_space<hbm>> -> memref<64x128xf32, #tpu.memory_space<hbm>>
          %dma_start3A_88 = arith.constant 0 : i32
          %dma_start3A_89 = tpu.memref_slice %arg2[%dma_start3A_88, %mul3A_85] : memref<64x1000000xf32, #tpu.memory_space<hbm>> -> memref<64x128xf32, #tpu.memory_space<hbm>>
          tpu.enqueue_dma source(%dma_start3A_89 : memref<64x128xf32, #tpu.memory_space<hbm>>) target(%arg6 : memref<64x128xf32, #tpu.memory_space<vmem>>) target_semaphore(%arg12 : memref<!tpu.dma_semaphore, #tpu.memory_space<semaphore_mem>>)
        } else {
        }
      } else {
      }
    }
    %scan3A_16 = arith.constant 123 : i32
    %dma_wait3A = arith.constant 0 : i32
    %dma_wait3A_17 = arith.constant 0 : i32
    %dma_wait3A_18 = tpu.memref_slice %arg4[%dma_wait3A, %dma_wait3A_17] : memref<1000000x128xf32, #tpu.memory_space<hbm>> -> memref<128x128xf32, #tpu.memory_space<hbm>>
    %dma_wait3A_19 = arith.constant 0 : i32
    %dma_wait3A_20 = arith.constant 0 : i32
    %dma_wait3A_21 = tpu.memref_slice %arg4[%dma_wait3A_19, %dma_wait3A_20] : memref<1000000x128xf32, #tpu.memory_space<hbm>> -> memref<128x128xf32, #tpu.memory_space<hbm>>
    tpu.wait_dma2 semaphore(%arg13 : memref<!tpu.dma_semaphore, #tpu.memory_space<semaphore_mem>>) src(%arg7 : memref<128x128xf32, #tpu.memory_space<vmem>>) dst(%dma_wait3A_21 : memref<128x128xf32, #tpu.memory_space<hbm>>)
    %dma_wait3A_22 = arith.constant 0 : i32
    %dma_wait3A_23 = arith.constant 0 : i32
    %dma_wait3A_24 = tpu.memref_slice %arg4[%dma_wait3A_22, %dma_wait3A_23] : memref<1000000x128xf32, #tpu.memory_space<hbm>> -> memref<128x128xf32, #tpu.memory_space<hbm>>
    %dma_wait3A_25 = arith.constant 0 : i32
    %dma_wait3A_26 = arith.constant 0 : i32
    %dma_wait3A_27 = tpu.memref_slice %arg4[%dma_wait3A_25, %dma_wait3A_26] : memref<1000000x128xf32, #tpu.memory_space<hbm>> -> memref<128x128xf32, #tpu.memory_space<hbm>>
    tpu.wait_dma2 semaphore(%arg14 : memref<!tpu.dma_semaphore, #tpu.memory_space<semaphore_mem>>) src(%arg8 : memref<128x128xf32, #tpu.memory_space<vmem>>) dst(%dma_wait3A_27 : memref<128x128xf32, #tpu.memory_space<hbm>>)
    %eq3A = arith.constant 0 : i32
    %eq3A_28 = arith.cmpi eq, %add3A, %eq3A : i32
    %convert_element_type3A_29 = arith.extui %eq3A_28 : i1 to i32
    %cond3A_30 = arith.constant 0 : i32
    %cond3A_31 = arith.cmpi ne, %convert_element_type3A_29, %cond3A_30 : i32
    scf.if %cond3A_31 {
      "tpu.region"() ({
        %run_scoped3A = tpu.sem_alloc : memref<!tpu.dma_semaphore, #tpu.memory_space<semaphore_mem>>
        %dma_start3A = arith.constant 0 : i32
        %dma_start3A_32 = arith.constant 0 : i32
        %dma_start3A_33 = tpu.memref_slice %arg7[%dma_start3A, %dma_start3A_32] : memref<128x128xf32, #tpu.memory_space<vmem>> -> memref<64x128xf32, #tpu.memory_space<vmem>>
        %dma_start3A_34 = arith.constant 0 : i32
        %dma_start3A_35 = arith.constant 0 : i32
        %dma_start3A_36 = tpu.memref_slice %arg7[%dma_start3A_34, %dma_start3A_35] : memref<128x128xf32, #tpu.memory_space<vmem>> -> memref<64x128xf32, #tpu.memory_space<vmem>>
        tpu.enqueue_dma source(%arg3 : memref<64x128xf32, #tpu.memory_space<hbm>>) target(%dma_start3A_36 : memref<64x128xf32, #tpu.memory_space<vmem>>) target_semaphore(%run_scoped3A : memref<!tpu.dma_semaphore, #tpu.memory_space<semaphore_mem>>)
        %dma_wait3A_37 = arith.constant 0 : i32
        %dma_wait3A_38 = arith.constant 0 : i32
        %dma_wait3A_39 = tpu.memref_slice %arg7[%dma_wait3A_37, %dma_wait3A_38] : memref<128x128xf32, #tpu.memory_space<vmem>> -> memref<64x128xf32, #tpu.memory_space<vmem>>
        %dma_wait3A_40 = arith.constant 0 : i32
        %dma_wait3A_41 = arith.constant 0 : i32
        %dma_wait3A_42 = tpu.memref_slice %arg7[%dma_wait3A_40, %dma_wait3A_41] : memref<128x128xf32, #tpu.memory_space<vmem>> -> memref<64x128xf32, #tpu.memory_space<vmem>>
        tpu.wait_dma2 semaphore(%run_scoped3A : memref<!tpu.dma_semaphore, #tpu.memory_space<semaphore_mem>>) src(%arg3 : memref<64x128xf32, #tpu.memory_space<hbm>>) dst(%dma_wait3A_42 : memref<64x128xf32, #tpu.memory_space<vmem>>)
        tpu.yield
      }) : () -> ()
      "tpu.region"() ({
        %run_scoped3A = tpu.sem_alloc : memref<!tpu.dma_semaphore, #tpu.memory_space<semaphore_mem>>
        %dma_start3A = arith.constant 0 : i32
        %dma_start3A_32 = arith.constant 0 : i32
        %dma_start3A_33 = tpu.memref_slice %arg7[%dma_start3A, %dma_start3A_32] : memref<128x128xf32, #tpu.memory_space<vmem>> -> memref<64x128xf32, #tpu.memory_space<vmem>>
        %dma_start3A_34 = arith.constant 999936 : i32
        %dma_start3A_35 = arith.constant 0 : i32
        %dma_start3A_36 = tpu.memref_slice %arg4[%dma_start3A_34, %dma_start3A_35] : memref<1000000x128xf32, #tpu.memory_space<hbm>> -> memref<64x128xf32, #tpu.memory_space<hbm>>
        %dma_start3A_37 = arith.constant 999936 : i32
        %dma_start3A_38 = arith.constant 0 : i32
        %dma_start3A_39 = tpu.memref_slice %arg4[%dma_start3A_37, %dma_start3A_38] : memref<1000000x128xf32, #tpu.memory_space<hbm>> -> memref<64x128xf32, #tpu.memory_space<hbm>>
        %dma_start3A_40 = arith.constant 0 : i32
        %dma_start3A_41 = arith.constant 0 : i32
        %dma_start3A_42 = tpu.memref_slice %arg7[%dma_start3A_40, %dma_start3A_41] : memref<128x128xf32, #tpu.memory_space<vmem>> -> memref<64x128xf32, #tpu.memory_space<vmem>>
        tpu.enqueue_dma source(%dma_start3A_42 : memref<64x128xf32, #tpu.memory_space<vmem>>) target(%dma_start3A_39 : memref<64x128xf32, #tpu.memory_space<hbm>>) target_semaphore(%run_scoped3A : memref<!tpu.dma_semaphore, #tpu.memory_space<semaphore_mem>>)
        %dma_wait3A_43 = arith.constant 0 : i32
        %dma_wait3A_44 = arith.constant 0 : i32
        %dma_wait3A_45 = tpu.memref_slice %arg7[%dma_wait3A_43, %dma_wait3A_44] : memref<128x128xf32, #tpu.memory_space<vmem>> -> memref<64x128xf32, #tpu.memory_space<vmem>>
        %dma_wait3A_46 = arith.constant 999936 : i32
        %dma_wait3A_47 = arith.constant 0 : i32
        %dma_wait3A_48 = tpu.memref_slice %arg4[%dma_wait3A_46, %dma_wait3A_47] : memref<1000000x128xf32, #tpu.memory_space<hbm>> -> memref<64x128xf32, #tpu.memory_space<hbm>>
        %dma_wait3A_49 = arith.constant 999936 : i32
        %dma_wait3A_50 = arith.constant 0 : i32
        %dma_wait3A_51 = tpu.memref_slice %arg4[%dma_wait3A_49, %dma_wait3A_50] : memref<1000000x128xf32, #tpu.memory_space<hbm>> -> memref<64x128xf32, #tpu.memory_space<hbm>>
        %dma_wait3A_52 = arith.constant 0 : i32
        %dma_wait3A_53 = arith.constant 0 : i32
        %dma_wait3A_54 = tpu.memref_slice %arg7[%dma_wait3A_52, %dma_wait3A_53] : memref<128x128xf32, #tpu.memory_space<vmem>> -> memref<64x128xf32, #tpu.memory_space<vmem>>
        tpu.wait_dma2 semaphore(%run_scoped3A : memref<!tpu.dma_semaphore, #tpu.memory_space<semaphore_mem>>) src(%dma_wait3A_54 : memref<64x128xf32, #tpu.memory_space<vmem>>) dst(%dma_wait3A_51 : memref<64x128xf32, #tpu.memory_space<hbm>>)
        tpu.yield
      }) : () -> ()
    } else {
    }
    return
  }
}

</mosaic_0001>

<sc_bundles>
// kernel: _sc_prep.3.cloned.1.call-start
scs
__scs_entry_jumppad:
0x0: {  	(pc) =	sbr.rel $0x88, $3  }
0x1: {  	(tag) =	ssettag $0x0;
	lr =	simm.s32 $0x1  }
0x2: {  	[smem:$0x3F9F] =	sst lr;
	_ =	strace $0xD0000000  }
0x3: {  	_ = 	snop  }
0x4: {  	_ = 	snop  }
0x5: {  	_ = 	snop  }
0x6: {  	_ = 	snop  }
0x7: {  	_ = 	snop  }
__scs_overlays_trampoline_lowered:
0x8: {  	[smem:$0x3FAE] =	sst s0  }
0x9: {  	[smem:$0x3FAF] =	sst s1  }
0xa: {  	[smem:$0x3FB0] =	sst s2  }
0xb: {  	[smem:$0x3FB1] =	sst s3  }
0xc: {  	[smem:$0x3FB2] =	sst s4  }
0xd: {  	[smem:$0x3FB3] =	sst s5  }
0xe: {  	[smem:$0x3FB4] =	sst s6  }
0xf: {  	[smem:$0x3FB5] =	sst s7  }
0x10: {  	[smem:$0x3FB6] =	sst s8  }
0x11: {  	[smem:$0x3FB7] =	sst s9;
	s0 =	simm.s32 @!p0 $0x0  }
0x12: {  	s1 =	sld [smem:$0x3F9D];
	s0 =	simm.s32 @p0 $0x1  }
0x13: {  	[smem:$0x3FB8] =	sst s0;
	s0 =	simm.s32 @!p1 $0x0  }
0x14: {  	s2 =	sld [smem:$0x3F9C];
	s0 =	simm.s32 @p1 $0x1  }
0x15: {  	[smem:$0x3FB9] =	sst s0;
	s0 =	simm.s32 @!p2 $0x0  }
0x16: {  	s3 =	sld [smem:$0x3FDB];
	s0 =	simm.s32 @p2 $0x1  }
0x17: {  	s4 =	simm.s32 $0x1BF5;
	[smem:$0x3FBB] =	sst s0  }
0x18: {  	s0 =	sld [smem:$0x3F9E];
	_ =	swait.ge [sflag:s4], $0x0  }
0x19: {  	s7 =	sld [smem:$0x3F9F]  }
0x1a: {  	s8 =	sadd.s32 $0xFFFFE003, lr  }
0x1b: {  	s9 =	sadd.s32 $0xFFFFFEF7, lr;
	s5 =	simm.s32 $0xFFFFFFFF;
	p2 =	slt.u32 s8, $0xFFFFF086  }
0x1c: {  	p1 =	slt.u32 s9, $0xF7A;
	s5 =	simm.s32 @!p2 $0x0  }
0x1d: {  	s5 =	simm.s32 @p1 $0x1;
	p0 =	seq.s32 s7, s2  }
0x1e: {  	s7 =	smul.u32 @!p0 $0xF7A, s2;
	p2 =	seq.s32 @!p0 s5, $0x0  }
0x1f: {  	s9 =	smul.u32 $0xF7A, s1;
	s8 =	simm.s32 @!p0 $0x1BF5;
	p2 =	por !p2, p0  }
0x20: {  	[sflag:s8] =	ssyncset.s32 @!p0 $0xFFFFF086;
	s6 =	sadd.s32 @!p0 s3, s7;
	s7 =	simm.s32 @!p0 $0x108  }
0x21: {  	s3 =	sadd.s32 s3, s9;
	s6 =	sadd.s32 @!p0 $0x88, s6;
	s7 =	simm.s32 @p2 $0x1082  }
0x22: {  	[simem:s7], [sflag:s8] =	dma.local @!p0 [hbm:s6], $0xF7A  }
0x23: {  	s9 =	sor.u32 $0xD0000000, s2;
	s6 =	simm.s32 $0x108;
	_ =	swait.ge @!p0 [sflag:s8], $0x0  }
0x24: {  	s3 =	sadd.s32 $0x88, s3;
	s6 =	simm.s32 @!p1 $0x1082;
	[sflag:s4] =	ssyncset.s32 $0xFFFFF086  }
0x25: {  	[simem:s6], [sflag:s4] =	dma.local [hbm:s3], $0xF7A  }
0x26: {  	[smem:$0x3F9F] =	sst s1;
	(tag) =	ssettag s2;
	_ =	strace s9  }
0x27: {  	s1 =	sld [smem:$0x3FAF]  }
0x28: {  	s2 =	sld [smem:$0x3FB0]  }
0x29: {  	s4 =	sld [smem:$0x3FB2]  }
0x2a: {  	p0 =	seq.s32 s5, $0x0;
	s5 =	sld [smem:$0x3FB3]  }
0x2b: {  	s6 =	sld [smem:$0x3FB4]  }
0x2c: {  	s7 =	sld [smem:$0x3FB5]  }
0x2d: {  	s3 =	simm.s32 $0x108;
	s8 =	sld [smem:$0x3FB6]  }
0x2e: {  	s3 =	simm.s32 @!p0 $0x1082;
	s9 =	sld [smem:$0x3FB7]  }
0x2f: {  	lr =	sadd.s32 s0, s3;
	s0 =	sld [smem:$0x3FAE]  }
0x30: {  	s3 =	sld [smem:$0x3FB1]  }
0x31: {  	[smem:$0x3FBA] =	sst s10  }
0x32: {  	s10 =	sld [smem:$0x3FB8];
	_ =	sdelay $0x3  }
0x33: {  	p0 =	seq.s32 s10, $0x1;
	s10 =	sld [smem:$0x3FBA];
	_ =	sdelay $0x3  }
0x34: {  	[smem:$0x3FBA] =	sst s10  }
0x35: {  	s10 =	sld [smem:$0x3FB9];
	_ =	sdelay $0x3  }
0x36: {  	p1 =	seq.s32 s10, $0x1;
	s10 =	sld [smem:$0x3FBA];
	_ =	sdelay $0x3  }
0x37: {  	[smem:$0x3FBA] =	sst s10  }
0x38: {  	s10 =	sld [smem:$0x3FBB]  }
0x39: {  	_ = 	snop;
	(pc) =	sbr.ind lr, $3  }
0x3a: {  	_ = 	snop  }
0x3b: {  	_ = 	snop  }
0x3c: {  	p2 =	seq.s32 s10, $0x1;
	s10 =	sld [smem:$0x3FBA]  }
0x3d: {  	_ =	shalt  }
0x3e: {  	_ =	shalt  }
0x3f: {  	_ =	shalt  }
0x40: {  	_ =	shalt  }
0x41: {  	_ =	shalt  }
0x42: {  	_ =	shalt  }
0x43: {  	_ =	shalt  }
0x44: {  	_ =	shalt  }
0x45: {  	_ =	shalt  }
0x46: {  	_ =	shalt  }
0x47: {  	_ =	shalt  }
0x48: {  	_ =	shalt  }
0x49: {  	_ =	shalt  }
0x4a: {  	_ =	shalt  }
0x4b: {  	_ =	shalt  }
0x4c: {  	_ =	shalt  }
0x4d: {  	_ =	shalt  }
0x4e: {  	_ =	shalt  }
0x4f: {  	_ =	shalt  }
0x50: {  	_ =	shalt  }
0x51: {  	_ =	shalt  }
0x52: {  	_ =	shalt  }
0x53: {  	_ =	shalt  }
0x54: {  	_ =	shalt  }
0x55: {  	_ =	shalt  }
0x56: {  	_ =	shalt  }
0x57: {  	_ =	shalt  }
0x58: {  	_ =	shalt  }
0x59: {  	_ =	shalt  }
0x5a: {  	_ =	shalt  }
0x5b: {  	_ =	shalt  }
0x5c: {  	_ =	shalt  }
0x5d: {  	_ =	shalt  }
0x5e: {  	_ =	shalt  }
0x5f: {  	_ =	shalt  }
0x60: {  	_ =	shalt  }
0x61: {  	_ =	shalt  }
0x62: {  	_ =	shalt  }
0x63: {  	_ =	shalt  }
0x64: {  	_ =	shalt  }
0x65: {  	_ =	shalt  }
0x66: {  	_ =	shalt  }
0x67: {  	_ =	shalt  }
0x68: {  	_ =	shalt  }
0x69: {  	_ =	shalt  }
0x6a: {  	_ =	shalt  }
0x6b: {  	_ =	shalt  }
0x6c: {  	_ =	shalt  }
0x6d: {  	_ =	shalt  }
0x6e: {  	_ =	shalt  }
0x6f: {  	_ =	shalt  }
0x70: {  	_ =	shalt  }
0x71: {  	_ =	shalt  }
0x72: {  	_ =	shalt  }
0x73: {  	_ =	shalt  }
0x74: {  	_ =	shalt  }
0x75: {  	_ =	shalt  }
0x76: {  	_ =	shalt  }
0x77: {  	_ =	shalt  }
0x78: {  	_ =	shalt  }
0x79: {  	_ =	shalt  }
0x7a: {  	_ =	shalt  }
0x7b: {  	_ =	shalt  }
0x7c: {  	_ =	shalt  }
0x7d: {  	_ =	shalt  }
0x7e: {  	_ =	shalt  }
0x7f: {  	_ =	shalt  }
0x80: {  	_ =	shalt  }
0x81: {  	_ =	shalt  }
0x82: {  	_ =	shalt  }
0x83: {  	_ =	shalt  }
0x84: {  	_ =	shalt  }
0x85: {  	_ =	shalt  }
0x86: {  	_ =	shalt  }
0x87: {  	_ =	shalt  }
.Lfunc_end0:
.L_simem_size_0:
called_computation_lowered:
.L_overlay_start_0:
0x88: {  	s2 =	sld [smem:$0x3FD9]  }
0x89: {  	s3 =	sld [smem:$0x3FFE];
	_ =	sdelay $0x1  }
0x8a: {  	s1 =	srdreg.scid  }
0x8b: {  	s0 =	sand.u32 $0x1, s1  }
0x8c: {  	s18 =	sshll.u32 s0, $0xA;
	s2 =	sadd.s32 s3, s2  }
0x8d: {  	s2 =	sadd.s32 s2, s18  }
0x8e: {  	[smem:$0x3FC6] =	sst s2  }
0x8f: {  	_ = 	snop  }
0x90: {  	s2 =	sld [smem:$0x3FC9]  }
0x91: {  	s19 =	sld [smem:$0x3FC8]  }
0x92: {  	s4 =	sld [smem:$0x3FD0];
	(tm) =	ssettm $0x1  }
0x93: {  	s5 =	sld [smem:$0x3FFB];
	_ =	sdelay $0x3  }
0x94: {  	_ =	strace s5  }
0x95: {  	s5 =	sld [smem:$0x3FFC];
	_ =	sdelay $0x3  }
0x96: {  	_ =	strace s5  }
0x97: {  	s5 =	sld [smem:$0x3FFD];
	_ =	sdelay $0x3  }
0x98: {  	_ =	strace s5  }
0x99: {  	_ =	strace $0x8FFFFFFF  }
0x9a: {  	s20 =	sld [smem:$0x3FDB];
	_ =	sdelay $0x1  }
0x9b: {  	s6 =	simm.s32 $_scs_section_size  }
0x9c: {  	s7 =	simm.s32 $_size__tile_overlayer_lowered;
	s8 =	simm.s32 $_tile_overlayer_lowered  }
0x9d: {  	s23 =	simm.s32 $0x1BFF;
	s22 =	sshll.u32 s8, $0x1;
	s5 =	sadd.s32 s6, s20  }
0x9e: {  	s9 =	simm.s32 $0x0;
	s21 =	sshll.u32 s7, $0x1;
	s7 =	sadd.s32 s22, s5  }
0x9f: {  	[timem:s9], [sflag:s23] =	dma.local [hbm:s7], s21  }
0xa0: {  	_ =	swait.ge [sflag:s23], s21  }
0xa1: {  	s6 =	ssub.s32 $0x0, s21;
	[sflag:s23] =	ssyncset.done $0x0  }
0xa2: {  	[sflag:s23] =	ssyncadd.s32 s6;
	_ =	sdelay $0x1  }
0xa3: {  	s24 =	simm.s32 $0x1B8B  }
0xa4: {  	_ =	swait.ge [sflag:s24], $0x1  }
0xa5: {  	[sflag:s24] =	ssyncset.done $0x0  }
0xa6: {  	s25 =	simm.s32 $0x1B8E;
	[sflag:s24] =	ssyncadd.s32 $0xFFFFFFFF  }
0xa7: {  	s26 =	simm.s32 $execute0_lowered;
	[smem:$0x3FD2] =	sst s25  }
0xa8: {  	s6 =	sshll.u32 s26, $0x1;
	_ =	strace $0x80000046;
	[dreg:$0x1] =	wrdreg $0xFFFFFFFF  }
0xa9: {  	s28 =	simm.s32 $_size_execute0_lowered;
	s5 =	sadd.s32 s5, s6;
	[dreg:$0x0] =	wrdreg $0x0  }
0xaa: {  	s6 =	sshll.u32 s28, $0x1;
	[dreg:$0x2] =	wrdreg s5  }
0xab: {  	[dreg:$0x3] =	wrdreg s6  }
0xac: {  	[dreg:$0x4] =	wrdreg $0xC0  }
0xad: {  	_ =	task [dreg:s9], $0x5FFFF  }
0xae: {  	[dreg:$0x1] =	wrdreg $0xFFFFFFFF  }
0xaf: {  	[dreg:$0x0] =	wrdreg $0x60  }
0xb0: {  	[dreg:$0x2] =	wrdreg s2  }
0xb1: {  	[dreg:$0x3] =	wrdreg s19  }
0xb2: {  	[dreg:$0x4] =	wrdreg s4  }
0xb3: {  	[dreg:$0x5] =	wrdreg $0x9  }
0xb4: {  	_ =	task.clear_ibuf [dreg:s9], $0x6FFFF;
	_ =	strace $0x90000046  }
0xb5: {  	s29 =	simm.s32 $0x9;
	_ =	strace $0x80000048  }
0xb6: {  	_ =	swait.ge [sflag:s29], $0x1  }
0xb7: {  	[sflag:s29] =	ssyncadd.s32 $0xFFFFFFFF  }
0xb8: {  	_ =	strace $0x90000048  }
0xb9: {  	_ =	sfence  }
0xba: {  	s30 =	sld [smem:$0x0];
	_ =	sdelay $0x2  }
0xbb: {  	s31 =	sshll.u32 s1, $0xD;
	s1 =	sshrl.u32 s1, $0x2  }
0xbc: {  	s3 =	sand.u32 $0x4000, s31;
	s1 =	sadd.s32 s1, s30  }
0xbd: {  	s0 =	sor.u32 s3, s0;
	s1 =	sshll.u32 s1, $0x11  }
0xbe: {  	s0 =	sor.u32 s1, s0  }
0xbf: {  	s0 =	sadd.s32 $0x8F2B, s0  }
0xc0: {  	[sflag:s0] =	ssyncadd.remote.s32 $0x1  }
0xc1: {  	_ =	sfence.sel $0xFFFF  }
0xc2: {  	[dreg:$0x0] =	wrdreg $0xFFFFFFFF;
	(pc) =	sbr.abs _section_cstart, $3  }
0xc3: {  	[dreg:$0x1] =	wrdreg $0xFFFFFFFF  }
0xc4: {  	_ =	task.clear_ibuf [dreg:s9], $0x2FFFF;
	_ =	strace $0x9FFFFFFF  }
0xc5: {  	(tm) =	ssettm $0x7FFFFFFF  }
tec
execute0_lowered:
.L_overlay_start_1:
0x0: {  	(tag) =	ssettag $0x1  }
0x1: {  	s8 =	rddreg [dreg:$0x0]  }
0x2: {  	s2 =	rddreg [dreg:$0x1]  }
0x3: {  	s3 =	rddreg [dreg:$0x2];
	s4 =	srdreg.scid  }
0x4: {  	s1 =	stileid.u32;
	s0 =	rddreg [dreg:$0x3]  }
0x5: {  	s11 =	simm.s32 $0x400;
	s12 =	simm.s32 $0x7A1400;
	s13 =	simm.s32 $0x2000  }
0x6: {  	s14 =	simm.s32 $0x1;
	s15 =	simm.s32 $0x4000;
	s16 =	simm.s32 $0x2  }
0x7: {  	s17 =	simm.s32 $0x8000;
	s18 =	simm.s32 $0x3;
	s19 =	simm.s32 $0x4  }
0x8: {  	s20 =	simm.s32 $0x0;
	s5 =	sand.u32 $0x1, s4;
	s6 =	sshll.u32 s1, $0x1  }
.Ltmp0:
0x9: {  	s4 =	simm.s32 $0x0;
	s7 =	ssub.s32 $0x2, s5;
	(pc) =	sbr.rel .LBB2_1-.Ltmp0, $4  }
0xa: {  	s5 =	sor.u32 s5, s6;
	[smem:$0x7FF] =	sst s4;
	s31 =	sshrl.u32 s7, $0x1  }
0xb: {  	s9 =	sshll.u32 s5, $0x7;
	_ =	strace $0x80000047;
	p0 =	sne.s32 s5, $0x0  }
0xc: {  	s10 =	ssub.s32 s7, s31;
	s6 =	sadd.s32 s8, s9;
	s8 =	sadd.s32 $0x2000, s8  }
0xd: {  	v0 =	vlaneseq.u32;
	s9 =	sadd.s32 $0xF42000, s3;
	s7 =	sadd.s32 $0x1000, s6;
	s10 =	smax.u32 s10, $0x1  }
.LBB2_13:
0xe: {  	_ =	swait.ge [sflag:s18], $0x4000  }
0xf: {  	[sflag:s18] =	ssyncset.done $0x0  }
0x10: {  	[sflag:s18] =	ssyncadd.s32 $0xFFFFC000  }
0x11: {  	_ =	swait.ge [sflag:s19], $0x4000  }
0x12: {  	s21 =	simm.s32 @!p0 $0x0;
	[sflag:s19] =	ssyncset.done $0x0  }
0x13: {  	s22 =	simm.s32 @!p0 $0x4000;
	s23 =	simm.s32 @!p0 $0x5;
	[sflag:s19] =	ssyncadd.s32 $0xFFFFC000  }
0x14: {  	[tilespmem:s22], [sflag:$0x5] =	stream.linear.gather @!p0 [hbm4b:s2+s21], $0x2000, $0x38;
	[tilespmem:$0x10000] =	vst v63  }
0x15: {  	s20 =	sadd.s32 $0x1, s20;
	_ =	swait.ge @!p0 [sflag:s23], $0x2000  }
0x16: {  	p1 =	sne.s32 s20, s10;
	[sflag:s23] =	ssyncset.done @!p0 $0x0  }
.Ltmp1:
0x17: {  	[sflag:s23] =	ssyncadd.s32 @!p0 $0xFFFFE000;
	(pc) =	sbr.rel @!p1 .LBB2_14-.Ltmp1, $4  }
0x18: {  	[hbm4b:s9+s21] =	stream.linear.scatter @!p0 [tilespmem:s22], [sflag:$0x5], $0x2000, $0x38;
	[tilespmem:$0x10000] =	vst v63  }
0x19: {  	_ =	swait.ge @!p0 [sflag:s23], $0x2000  }
0x1a: {  	[sflag:s23] =	ssyncset.done @!p0 $0x0  }
0x1b: {  	[sflag:s23] =	ssyncadd.s32 @!p0 $0xFFFFE000  }
.LBB2_1:
0x1c: {  	s22 =	sand.u32 $0x70, s4;
	s23 =	simm.s32 $0x0;
	v1 =	vadd.s32 s4, v0  }
0x1d: {  	s21 =	simm.s32 $0xC000;
	v2 =	vor.u32 s22, v0;
	s23 =	sand.u32 $0x30, s23;
	v1 =	vand.u32 $0xF, v1  }
0x1e: {  	s22 =	simm.s32 $0xE000;
	[tilespmem:s21+$0x0] =	vst v2;
	v1 =	vor.u32 s23, v1  }
0x1f: {  	s23 =	simm.s32 $0x1;
	[tilespmem:s22+$0x0] =	vst v1  }
.LBB2_2:
0x20: {  	p1 =	sne.s32 s23, $0x1FF  }
.Ltmp2:
0x21: {  	s24 =	sand.u32 $0x70, s23;
	(pc) =	sbr.rel @p1 .LBB2_2-.Ltmp2, $4  }
0x22: {  	s25 =	sshrl.u32 s23, $0x3;
	v1 =	vadd.s32 s23, v0;
	s23 =	sadd.s32 $0x1, s23  }
0x23: {  	s21 =	sadd.s32 $0x10, s21;
	v2 =	vor.u32 s24, v0;
	s24 =	sand.u32 $0x30, s25;
	v1 =	vand.u32 $0xF, v1  }
0x24: {  	s22 =	sadd.s32 $0x10, s22;
	v1 =	vor.u32 s24, v1;
	[tilespmem:s21+$0x0] =	vst v2  }
0x25: {  	[tilespmem:s22+$0x0] =	vst v1  }
.Ltmp3:
0x26: {  	(pc) =	sbr.rel .LBB2_4-.Ltmp3, $4  }
0x27: {  	s21 =	simm.s32 $0x0  }
0x28: {  	[tilespmem:s21], [sflag:$0x1] =	stream.strided.gather [hbm4b:s6+s11], $0x2000, s12, s11, $0x38;
	[tilespmem:$0x10000] =	vst v63  }
0x29: {  	_ = 	snop  }
0x2a: {  	[tilespmem:s13], [sflag:$0x2] =	stream.strided.gather [hbm4b:s7+s11], $0x2000, s12, s11, $0x38;
	[tilespmem:$0x10000] =	vst v63  }
.LBB2_12:
0x2b: {  	s21 =	sadd.s32 $0x1, s21  }
0x2c: {  	p1 =	sne.s32 s21, $0x7B  }
.Ltmp4:
0x2d: {  	_ = 	snop;
	(pc) =	sbr.rel @!p1 .LBB2_13-.Ltmp4, $1  }
0x2e: {  	_ =	sdelay $0x3  }
.LBB2_4:
0x2f: {  	s22 =	sshll.u32 s21, $0x6  }
0x30: {  	s22 =	sor.u32 s5, s22  }
0x31: {  	p2 =	sgt.u32 s22, $0x1E83  }
.Ltmp5:
0x32: {  	_ = 	snop;
	(pc) =	sbr.rel @p2 .LBB2_8-.Ltmp5, $2  }
0x33: {  	_ =	sdelay $0x2  }
0x34: {  	p1 =	seq.s32 s21, $0x0  }
0x35: {  	_ =	swait.ge [sflag:s14], $0x2000  }
0x36: {  	[sflag:s14] =	ssyncset.done $0x0  }
0x37: {  	s23 =	simm.s32 @!p1 $0x3;
	[sflag:s14] =	ssyncadd.s32 $0xFFFFE000  }
0x38: {  	_ =	swait.ge @!p1 [sflag:s23], $0x4000  }
0x39: {  	[sflag:s23] =	ssyncset.done @!p1 $0x0  }
0x3a: {  	s30 =	simm.s32 $0xC020;
	[sflag:s23] =	ssyncadd.s32 @!p1 $0xFFFFC000  }
0x3b: {  	s24 =	simm.s32 $0xE020;
	v1 =	vld [tilespmem:s30+$0x10]  }
0x3c: {  	v2 =	vld [tilespmem:s24+$0x10]  }
0x3d: {  	v3 =	vld [tilespmem:s24+$0xFFFFFFE0]  }
0x3e: {  	v4 =	vld [tilespmem:s30+$0xFFFFFFF0]  }
0x3f: {  	v5 =	vld [tilespmem:s24+$0xFFFFFFF0]  }
0x40: {  	v6 =	vld [tilespmem:s30+$0x0]  }
0x41: {  	v7 =	vld [tilespmem:s24+$0x0]  }
0x42: {  	s31 =	simm.s32 $0xC060;
	v10 =	vld [tilespmem:s30+$0xFFFFFFE0]  }
0x43: {  	v25 =	vld [tilespmem:s31+$0xFFFFFFF0]  }
0x44: {  	v8 =	vand.u32 $0xFFFFFF80, v1;
	v9 =	vshll.u32 v2, $0x7  }
0x45: {  	v11 =	vshll.u32 v3, $0x7;
	v12 =	vand.u32 $0x7F, v1;
	v13 =	vand.u32 $0x7F, v4  }
0x46: {  	v14 =	vshll.u32 v5, $0x7;
	v15 =	vadd.s32 $0x40, v5;
	v16 =	vand.u32 $0x7F, v6  }
0x47: {  	v17 =	vadd.s32 $0x40, v7;
	v18 =	vand.u32 $0xFFFFFF80, v10;
	v19 =	vand.u32 $0x7F, v10  }
0x48: {  	v1 =	vshll.u32 v1, $0x7;
	v22 =	vand.u32 $0xFFFFFF80, v7;
	v60 =	vand.u32 $0x7F, v25  }
0x49: {  	v8 =	vadd.s32 v8, v9;
	v9 =	vand.u32 $0xFFFFFF80, v4;
	v11 =	vadd.s32 v18, v11  }
0x4a: {  	v18 =	vadd.s32 $0x40, v2;
	v4 =	vshll.u32 v4, $0x7;
	v8 =	vor.u32 v12, v8  }
0x4b: {  	v12 =	vadd.s32 $0x40, v3;
	v9 =	vadd.s32 v9, v14;
	v14 =	vand.u32 $0xFFFFFF80, v6  }
0x4c: {  	v20 =	vand.u32 $0xFFFFFF80, v18;
	v9 =	vor.u32 v13, v9;
	v13 =	vshll.u32 v7, $0x7  }
0x4d: {  	v11 =	vor.u32 v19, v11;
	v6 =	vshll.u32 v6, $0x7;
	v13 =	vadd.s32 v14, v13  }
0x4e: {  	v7 =	vand.u32 $0x7F, v7;
	v14 =	vand.u32 $0xFFFFFF80, v12;
	v13 =	vor.u32 v16, v13  }
0x4f: {  	v12 =	vand.u32 $0x7F, v12;
	v16 =	vand.u32 $0xFFFFFF80, v2;
	v2 =	vand.u32 $0x7F, v2  }
0x50: {  	v21 =	vld [tilespmem:s31+$0x10];
	v16 =	vadd.s32 v1, v16;
	v1 =	vadd.s32 v1, v20;
	v20 =	vand.u32 $0xFFFFFF80, v5  }
0x51: {  	v8 =	vld.idx.msk [tilespmem:v8+s4+$0x0], $0xffff;
	v16 =	vor.u32 v2, v16;
	v2 =	vand.u32 $0x7F, v18;
	v18 =	vand.u32 $0xFFFFFF80, v15  }
0x52: {  	v20 =	vadd.s32 v4, v20;
	v15 =	vand.u32 $0x7F, v15;
	v9 =	vld.idx.msk [tilespmem:v9+s4+$0x0], $0xffff;
	v19 =	vor.u32 v2, v1  }
0x53: {  	s23 =	simm.s32 $0xE060;
	v1 =	vand.u32 $0xFFFFFF80, v3;
	v2 =	vshll.u32 v10, $0x7;
	v18 =	vadd.s32 v4, v18;
	v10 =	vld.idx.msk [tilespmem:v13+s4+$0x0], $0xffff  }
0x54: {  	v4 =	vand.u32 $0x7F, v3;
	v3 =	vld [tilespmem:s23+$0xFFFFFFF0];
	v14 =	vadd.s32 v2, v14;
	v24 =	vadd.s32 v2, v1  }
0x55: {  	v23 =	vld [tilespmem:s23+$0x10];
	v15 =	vor.u32 v15, v18;
	v18 =	vand.u32 $0x7F, v21;
	v13 =	vand.u32 $0xFFFFFF80, v17  }
0x56: {  	v1 =	vld [tilespmem:s23+$0xFFFFFFE0];
	v2 =	vor.u32 v12, v14;
	v14 =	vand.u32 $0x7F, v5;
	v4 =	vor.u32 v4, v24  }
0x57: {  	v12 =	vld [tilespmem:s31+$0x0];
	v13 =	vadd.s32 v6, v13;
	v6 =	vadd.s32 v6, v22;
	v8 =	vmul.f32 $8.000000000e+00, v8  }
0x58: {  	v5 =	vld [tilespmem:s23+$0x0];
	v9 =	vmul.f32 $8.000000000e+00, v9;
	v22 =	vmul.f32 $8.000000000e+00, v10;
	v10 =	vand.u32 $0x7F, v17  }
0x59: {  	v26 =	vshll.u32 v3, $0x7;
	v13 =	vor.u32 v10, v13;
	v10 =	vor.u32 v14, v20  }
0x5a: {  	v20 =	vor.u32 v7, v6;
	v6 =	vand.u32 $0xFFFFFF80, v21;
	v7 =	vshll.u32 v23, $0x7  }
0x5b: {  	v63 =	vadd.s32 $0x40, v1;
	v17 =	vshll.u32 v1, $0x7;
	v14 =	vld [tilespmem:s31+$0xFFFFFFE0];
	v6 =	vadd.s32 v6, v7  }
0x5c: {  	[tilespmem:v16+s15+$0x0] =	vst.idx.msk $0xffff, v8;
	v27 =	vand.u32 $0x7F, v12;
	v7 =	vand.u32 $0xFFFFFF80, v25;
	v6 =	vor.u32 v18, v6  }
0x5d: {  	[tilespmem:v19+s15+$0x0] =	vst.idx.msk $0xffff, v8;
	v8 =	vadd.s32 $0x40, v5;
	v31 =	vand.u32 $0xFFFFFF80, v63;
	v7 =	vadd.s32 v7, v26  }
0x5e: {  	v18 =	vand.u32 $0xFFFFFF80, v12;
	v24 =	vor.u32 v60, v7;
	v7 =	vshll.u32 v5, $0x7  }
0x5f: {  	v7 =	vadd.s32 v18, v7;
	v18 =	vshll.u32 v21, $0x7;
	v21 =	vadd.s32 $0x40, v23  }
0x60: {  	v61 =	vand.u32 $0xFFFFFF80, v14;
	v62 =	vor.u32 v27, v7;
	v7 =	vand.u32 $0xFFFFFF80, v23  }
0x61: {  	v23 =	vand.u32 $0x7F, v23;
	v16 =	vand.u32 $0x7F, v21;
	[tilespmem:v20+s15+$0x0] =	vst.idx.msk $0xffff, v22;
	v20 =	vand.u32 $0xFFFFFF80, v3;
	v28 =	vld.idx.msk [tilespmem:v6+s4+$0x0], $0xffff  }
0x62: {  	v30 =	vld.idx.msk [tilespmem:v11+s4+$0x0], $0xffff;
	v17 =	vadd.s32 v61, v17;
	v7 =	vadd.s32 v18, v7;
	v6 =	vand.u32 $0xFFFFFF80, v21  }
0x63: {  	[tilespmem:v13+s15+$0x0] =	vst.idx.msk $0xffff, v22;
	v22 =	vand.u32 $0xFFFFFF80, v5;
	v29 =	vor.u32 v23, v7;
	v11 =	vadd.s32 v18, v6  }
0x64: {  	[tilespmem:v10+s15+$0x0] =	vst.idx.msk $0xffff, v9;
	v7 =	vadd.s32 $0x40, v3;
	v21 =	vshll.u32 v25, $0x7;
	v10 =	vld.idx.msk [tilespmem:v24+s4+$0x0], $0xffff;
	v11 =	vor.u32 v16, v11  }
0x65: {  	v23 =	vshll.u32 v12, $0x7;
	v12 =	vand.u32 $0x7F, v63;
	v6 =	vand.u32 $0x7F, v14  }
0x66: {  	[tilespmem:v15+s15+$0x0] =	vst.idx.msk $0xffff, v9;
	v32 =	vand.u32 $0xFFFFFF80, v7;
	v18 =	vshll.u32 v14, $0x7;
	v9 =	vld.idx.msk [tilespmem:v62+s4+$0x0], $0xffff;
	v19 =	vmul.f32 $8.000000000e+00, v28  }
0x67: {  	v14 =	vmul.f32 $8.000000000e+00, v30;
	v6 =	vor.u32 v6, v17;
	v16 =	vand.u32 $0xFFFFFF80, v1  }
0x68: {  	s25 =	simm.s32 $0xC0A0;
	s24 =	simm.s32 $0x4;
	v17 =	vand.u32 $0xFFFFFF80, v8;
	v13 =	vadd.s32 v18, v31;
	v15 =	vadd.s32 v21, v32;
	[tilespmem:v29+s15+$0x0] =	vst.idx.msk $0xffff, v19  }
.LBB2_6:
0x69: {  	v24 =	vld [tilespmem:s25+$0x10];
	v16 =	vadd.s32 v18, v16;
	v10 =	vmul.f32 $8.000000000e+00, v10;
	v17 =	vadd.s32 v23, v17;
	[tilespmem:v11+s15+$0x0] =	vst.idx.msk $0xffff, v19;
	s23 =	sadd.s32 $0x40, s23  }
0x6a: {  	v18 =	vadd.s32 v21, v20;
	v7 =	vand.u32 $0x7F, v7;
	v19 =	vadd.s32 v23, v22;
	v11 =	vld [tilespmem:s23+$0x10];
	[tilespmem:v4+s15+$0x0] =	vst.idx.msk $0xffff, v14  }
0x6b: {  	s24 =	sadd.s32 $0x4, s24;
	v8 =	vand.u32 $0x7F, v8;
	v4 =	vand.u32 $0x7F, v1;
	v9 =	vmul.f32 $8.000000000e+00, v9;
	v1 =	vld [tilespmem:s23+$0xFFFFFFE0];
	[tilespmem:v2+s15+$0x0] =	vst.idx.msk $0xffff, v14  }
0x6c: {  	v5 =	vand.u32 $0x7F, v5;
	p2 =	slt.u32 s24, $0x1FC;
	v2 =	vor.u32 v12, v13;
	v12 =	vand.u32 $0x7F, v3;
	v14 =	vld [tilespmem:s25+$0xFFFFFFF0]  }
0x6d: {  	v4 =	vor.u32 v4, v16;
	v13 =	vor.u32 v7, v15;
	v15 =	vor.u32 v8, v17;
	v3 =	vld [tilespmem:s23+$0xFFFFFFF0]  }
0x6e: {  	v8 =	vor.u32 v12, v18;
	v12 =	vor.u32 v5, v19;
	v23 =	vld [tilespmem:s25+$0x0]  }
0x6f: {  	v7 =	vand.u32 $0xFFFFFF80, v24;
	v5 =	vld [tilespmem:s23+$0x0];
	v16 =	vshll.u32 v11, $0x7  }
0x70: {  	v19 =	vand.u32 $0x7F, v24;
	v17 =	vld [tilespmem:s25+$0xFFFFFFE0];
	v18 =	vshll.u32 v1, $0x7;
	v7 =	vadd.s32 v7, v16  }
0x71: {  	v16 =	vand.u32 $0xFFFFFF80, v14;
	v20 =	vand.u32 $0x7F, v14;
	v19 =	vor.u32 v19, v7;
	v25 =	vld.idx.msk [tilespmem:v6+s4+$0x0], $0xffff  }
0x72: {  	v26 =	vadd.s32 $0x40, v1;
	v6 =	vshll.u32 v3, $0x7;
	v7 =	vadd.s32 $0x40, v3  }
0x73: {  	v6 =	vadd.s32 v16, v6;
	v16 =	vand.u32 $0xFFFFFF80, v23;
	v21 =	vand.u32 $0x7F, v23;
	[tilespmem:v8+s15+$0x0] =	vst.idx.msk $0xffff, v10  }
0x74: {  	v6 =	vor.u32 v20, v6;
	v20 =	vshll.u32 v5, $0x7;
	v8 =	vadd.s32 $0x40, v5;
	[tilespmem:v13+s15+$0x0] =	vst.idx.msk $0xffff, v10  }
0x75: {  	v10 =	vand.u32 $0xFFFFFF80, v17;
	v13 =	vand.u32 $0x7F, v17;
	v16 =	vadd.s32 v16, v20;
	[tilespmem:v12+s15+$0x0] =	vst.idx.msk $0xffff, v9  }
0x76: {  	v27 =	vand.u32 $0xFFFFFF80, v26;
	v12 =	vadd.s32 v10, v18;
	v20 =	vor.u32 v21, v16;
	v19 =	vld.idx.msk [tilespmem:v19+s4+$0x0], $0xffff  }
0x77: {  	v10 =	vand.u32 $0xFFFFFF80, v11;
	v16 =	vshll.u32 v24, $0x7;
	v18 =	vadd.s32 $0x40, v11;
	[tilespmem:v15+s15+$0x0] =	vst.idx.msk $0xffff, v9  }
0x78: {  	v9 =	vand.u32 $0x7F, v11;
	v11 =	vadd.s32 v16, v10;
	v15 =	vand.u32 $0xFFFFFF80, v18  }
0x79: {  	v24 =	vor.u32 v9, v11;
	v9 =	vand.u32 $0x7F, v18;
	v11 =	vadd.s32 v16, v15;
	v10 =	vld.idx.msk [tilespmem:v6+s4+$0x0], $0xffff  }
.Ltmp6:
0x7a: {  	v15 =	vand.u32 $0xFFFFFF80, v7;
	v6 =	vor.u32 v13, v12;
	v11 =	vor.u32 v9, v11;
	(pc) =	sbr.rel @p2 .LBB2_6-.Ltmp6, $4  }
0x7b: {  	v16 =	vand.u32 $0xFFFFFF80, v1;
	v18 =	vshll.u32 v17, $0x7;
	v17 =	vand.u32 $0xFFFFFF80, v8;
	v9 =	vld.idx.msk [tilespmem:v20+s4+$0x0], $0xffff  }
0x7c: {  	v21 =	vshll.u32 v14, $0x7;
	v20 =	vand.u32 $0xFFFFFF80, v3;
	v19 =	vmul.f32 $8.000000000e+00, v19  }
0x7d: {  	v23 =	vshll.u32 v23, $0x7;
	v22 =	vand.u32 $0xFFFFFF80, v5;
	v14 =	vmul.f32 $8.000000000e+00, v25  }
0x7e: {  	s25 =	sadd.s32 $0x40, s25;
	v12 =	vand.u32 $0x7F, v26;
	v13 =	vadd.s32 v18, v27;
	v15 =	vadd.s32 v21, v15;
	[tilespmem:v24+s15+$0x0] =	vst.idx.msk $0xffff, v19  }
0x7f: {  	_ = 	snop  }
0x80: {  	v16 =	vadd.s32 v18, v16;
	v60 =	vadd.s32 v21, v20;
	v3 =	vand.u32 $0x7F, v3  }
0x81: {  	v61 =	vadd.s32 v23, v22;
	v5 =	vand.u32 $0x7F, v5;
	v3 =	vor.u32 v3, v60  }
0x82: {  	v17 =	vadd.s32 v23, v17;
	v7 =	vand.u32 $0x7F, v7;
	v5 =	vor.u32 v5, v61  }
0x83: {  	[tilespmem:v11+s15+$0x0] =	vst.idx.msk $0xffff, v19;
	v8 =	vand.u32 $0x7F, v8;
	v6 =	vld.idx.msk [tilespmem:v6+s4+$0x0], $0xffff;
	v7 =	vor.u32 v7, v15  }
0x84: {  	v10 =	vmul.f32 $8.000000000e+00, v10;
	[tilespmem:v4+s15+$0x0] =	vst.idx.msk $0xffff, v14;
	v1 =	vand.u32 $0x7F, v1;
	v62 =	vor.u32 v8, v17  }
0x85: {  	[tilespmem:v2+s15+$0x0] =	vst.idx.msk $0xffff, v14;
	v1 =	vor.u32 v1, v16;
	v2 =	vmul.f32 $8.000000000e+00, v9  }
0x86: {  	v63 =	vor.u32 v12, v13;
	[tilespmem:v3+s15+$0x0] =	vst.idx.msk $0xffff, v10  }
0x87: {  	[tilespmem:v5+s15+$0x0] =	vst.idx.msk $0xffff, v2  }
0x88: {  	v3 =	vmul.f32 $8.000000000e+00, v6;
	[tilespmem:v7+s15+$0x0] =	vst.idx.msk $0xffff, v10  }
0x89: {  	[tilespmem:v62+s15+$0x0] =	vst.idx.msk $0xffff, v2  }
0x8a: {  	s23 =	sshll.u32 s22, $0xB;
	[tilespmem:v1+s15+$0x0] =	vst.idx.msk $0xffff, v3  }
0x8b: {  	p2 =	sgt.u32 s22, $0x1E43;
	s23 =	sadd.s32 s3, s23;
	[tilespmem:v63+s15+$0x0] =	vst.idx.msk $0xffff, v3  }
0x8c: {  	[hbm4b:s23+s4] =	stream.linear.scatter [tilespmem:s15], [sflag:$0x3], $0x4000, $0x38;
	[tilespmem:$0x10000] =	vst v63  }
0x8d: {  	s24 =	simm.s32 @!p2 $0x400;
	s23 =	sshll.u32 @!p2 s22, $0x7  }
0x8e: {  	s25 =	simm.s32 @!p2 $0x7A1400;
	s26 =	simm.s32 @!p2 $0x0;
	s23 =	sadd.s32 @!p2 s23, s8  }
0x8f: {  	[tilespmem:s26], [sflag:$0x1] =	stream.strided.gather @!p2 [hbm4b:s23+s24], $0x2000, s25, s24, $0x38;
	[tilespmem:$0x10000] =	vst v63  }
.LBB2_8:
0x90: {  	s22 =	sor.u32 $0x20, s22  }
0x91: {  	p2 =	sgt.u32 s22, $0x1E83  }
.Ltmp7:
0x92: {  	_ = 	snop;
	(pc) =	sbr.rel @p2 .LBB2_12-.Ltmp7, $1  }
0x93: {  	_ =	sdelay $0x3  }
0x94: {  	_ =	swait.ge [sflag:s16], $0x2000  }
0x95: {  	[sflag:s16] =	ssyncset.done $0x0  }
0x96: {  	s23 =	simm.s32 @!p1 $0x4;
	[sflag:s16] =	ssyncadd.s32 $0xFFFFE000  }
0x97: {  	_ =	swait.ge @!p1 [sflag:s23], $0x4000  }
0x98: {  	[sflag:s23] =	ssyncset.done @!p1 $0x0  }
0x99: {  	s30 =	simm.s32 $0xC020;
	[sflag:s23] =	ssyncadd.s32 @!p1 $0xFFFFC000  }
0x9a: {  	s24 =	simm.s32 $0xE020;
	v1 =	vld [tilespmem:s30+$0x10]  }
0x9b: {  	v2 =	vld [tilespmem:s24+$0x10]  }
0x9c: {  	v3 =	vld [tilespmem:s24+$0xFFFFFFE0]  }
0x9d: {  	v4 =	vld [tilespmem:s30+$0xFFFFFFF0]  }
0x9e: {  	v5 =	vld [tilespmem:s24+$0xFFFFFFF0]  }
0x9f: {  	v6 =	vld [tilespmem:s30+$0x0]  }
0xa0: {  	v7 =	vld [tilespmem:s24+$0x0]  }
0xa1: {  	s31 =	simm.s32 $0xC060;
	v10 =	vld [tilespmem:s30+$0xFFFFFFE0]  }
0xa2: {  	v25 =	vld [tilespmem:s31+$0xFFFFFFF0]  }
0xa3: {  	v8 =	vand.u32 $0xFFFFFF80, v1;
	v9 =	vshll.u32 v2, $0x7  }
0xa4: {  	v11 =	vshll.u32 v3, $0x7;
	v12 =	vand.u32 $0x7F, v1;
	v13 =	vand.u32 $0x7F, v4  }
0xa5: {  	v14 =	vshll.u32 v5, $0x7;
	v15 =	vadd.s32 $0x40, v5;
	v16 =	vand.u32 $0x7F, v6  }
0xa6: {  	v17 =	vadd.s32 $0x40, v7;
	v18 =	vand.u32 $0xFFFFFF80, v10;
	v19 =	vand.u32 $0x7F, v10  }
0xa7: {  	v1 =	vshll.u32 v1, $0x7;
	v22 =	vand.u32 $0xFFFFFF80, v7;
	v60 =	vand.u32 $0x7F, v25  }
0xa8: {  	v8 =	vadd.s32 v8, v9;
	v9 =	vand.u32 $0xFFFFFF80, v4;
	v11 =	vadd.s32 v18, v11  }
0xa9: {  	v18 =	vadd.s32 $0x40, v2;
	v4 =	vshll.u32 v4, $0x7;
	v8 =	vor.u32 v12, v8  }
0xaa: {  	v12 =	vadd.s32 $0x40, v3;
	v9 =	vadd.s32 v9, v14;
	v14 =	vand.u32 $0xFFFFFF80, v6  }
0xab: {  	v20 =	vand.u32 $0xFFFFFF80, v18;
	v9 =	vor.u32 v13, v9;
	v13 =	vshll.u32 v7, $0x7  }
0xac: {  	v11 =	vor.u32 v19, v11;
	v6 =	vshll.u32 v6, $0x7;
	v13 =	vadd.s32 v14, v13  }
0xad: {  	v7 =	vand.u32 $0x7F, v7;
	v14 =	vand.u32 $0xFFFFFF80, v12;
	v13 =	vor.u32 v16, v13  }
0xae: {  	v12 =	vand.u32 $0x7F, v12;
	v16 =	vand.u32 $0xFFFFFF80, v2;
	v2 =	vand.u32 $0x7F, v2  }
0xaf: {  	v21 =	vld [tilespmem:s31+$0x10];
	v16 =	vadd.s32 v1, v16;
	v1 =	vadd.s32 v1, v20;
	v20 =	vand.u32 $0xFFFFFF80, v5  }
0xb0: {  	v8 =	vld.idx.msk [tilespmem:v8+s13+$0x0], $0xffff;
	v16 =	vor.u32 v2, v16;
	v2 =	vand.u32 $0x7F, v18;
	v18 =	vand.u32 $0xFFFFFF80, v15  }
0xb1: {  	v20 =	vadd.s32 v4, v20;
	v15 =	vand.u32 $0x7F, v15;
	v9 =	vld.idx.msk [tilespmem:v9+s13+$0x0], $0xffff;
	v19 =	vor.u32 v2, v1  }
0xb2: {  	s23 =	simm.s32 $0xE060;
	v1 =	vand.u32 $0xFFFFFF80, v3;
	v2 =	vshll.u32 v10, $0x7;
	v18 =	vadd.s32 v4, v18;
	v10 =	vld.idx.msk [tilespmem:v13+s13+$0x0], $0xffff  }
0xb3: {  	v4 =	vand.u32 $0x7F, v3;
	v3 =	vld [tilespmem:s23+$0xFFFFFFF0];
	v14 =	vadd.s32 v2, v14;
	v24 =	vadd.s32 v2, v1  }
0xb4: {  	v23 =	vld [tilespmem:s23+$0x10];
	v15 =	vor.u32 v15, v18;
	v18 =	vand.u32 $0x7F, v21;
	v13 =	vand.u32 $0xFFFFFF80, v17  }
0xb5: {  	v1 =	vld [tilespmem:s23+$0xFFFFFFE0];
	v2 =	vor.u32 v12, v14;
	v14 =	vand.u32 $0x7F, v5;
	v4 =	vor.u32 v4, v24  }
0xb6: {  	v12 =	vld [tilespmem:s31+$0x0];
	v13 =	vadd.s32 v6, v13;
	v6 =	vadd.s32 v6, v22;
	v8 =	vmul.f32 $8.000000000e+00, v8  }
0xb7: {  	v5 =	vld [tilespmem:s23+$0x0];
	v9 =	vmul.f32 $8.000000000e+00, v9;
	v22 =	vmul.f32 $8.000000000e+00, v10;
	v10 =	vand.u32 $0x7F, v17  }
0xb8: {  	v26 =	vshll.u32 v3, $0x7;
	v13 =	vor.u32 v10, v13;
	v10 =	vor.u32 v14, v20  }
0xb9: {  	v20 =	vor.u32 v7, v6;
	v6 =	vand.u32 $0xFFFFFF80, v21;
	v7 =	vshll.u32 v23, $0x7  }
0xba: {  	v63 =	vadd.s32 $0x40, v1;
	v17 =	vshll.u32 v1, $0x7;
	v14 =	vld [tilespmem:s31+$0xFFFFFFE0];
	v6 =	vadd.s32 v6, v7  }
0xbb: {  	[tilespmem:v16+s17+$0x0] =	vst.idx.msk $0xffff, v8;
	v27 =	vand.u32 $0x7F, v12;
	v7 =	vand.u32 $0xFFFFFF80, v25;
	v6 =	vor.u32 v18, v6  }
0xbc: {  	[tilespmem:v19+s17+$0x0] =	vst.idx.msk $0xffff, v8;
	v8 =	vadd.s32 $0x40, v5;
	v31 =	vand.u32 $0xFFFFFF80, v63;
	v7 =	vadd.s32 v7, v26  }
0xbd: {  	v18 =	vand.u32 $0xFFFFFF80, v12;
	v24 =	vor.u32 v60, v7;
	v7 =	vshll.u32 v5, $0x7  }
0xbe: {  	v7 =	vadd.s32 v18, v7;
	v18 =	vshll.u32 v21, $0x7;
	v21 =	vadd.s32 $0x40, v23  }
0xbf: {  	v61 =	vand.u32 $0xFFFFFF80, v14;
	v62 =	vor.u32 v27, v7;
	v7 =	vand.u32 $0xFFFFFF80, v23  }
0xc0: {  	v23 =	vand.u32 $0x7F, v23;
	v16 =	vand.u32 $0x7F, v21;
	[tilespmem:v20+s17+$0x0] =	vst.idx.msk $0xffff, v22;
	v20 =	vand.u32 $0xFFFFFF80, v3;
	v28 =	vld.idx.msk [tilespmem:v6+s13+$0x0], $0xffff  }
0xc1: {  	v30 =	vld.idx.msk [tilespmem:v11+s13+$0x0], $0xffff;
	v17 =	vadd.s32 v61, v17;
	v7 =	vadd.s32 v18, v7;
	v6 =	vand.u32 $0xFFFFFF80, v21  }
0xc2: {  	[tilespmem:v13+s17+$0x0] =	vst.idx.msk $0xffff, v22;
	v22 =	vand.u32 $0xFFFFFF80, v5;
	v29 =	vor.u32 v23, v7;
	v11 =	vadd.s32 v18, v6  }
0xc3: {  	[tilespmem:v10+s17+$0x0] =	vst.idx.msk $0xffff, v9;
	v7 =	vadd.s32 $0x40, v3;
	v21 =	vshll.u32 v25, $0x7;
	v10 =	vld.idx.msk [tilespmem:v24+s13+$0x0], $0xffff;
	v11 =	vor.u32 v16, v11  }
0xc4: {  	v23 =	vshll.u32 v12, $0x7;
	v12 =	vand.u32 $0x7F, v63;
	v6 =	vand.u32 $0x7F, v14  }
0xc5: {  	[tilespmem:v15+s17+$0x0] =	vst.idx.msk $0xffff, v9;
	v32 =	vand.u32 $0xFFFFFF80, v7;
	v18 =	vshll.u32 v14, $0x7;
	v9 =	vld.idx.msk [tilespmem:v62+s13+$0x0], $0xffff;
	v19 =	vmul.f32 $8.000000000e+00, v28  }
0xc6: {  	v14 =	vmul.f32 $8.000000000e+00, v30;
	v6 =	vor.u32 v6, v17;
	v16 =	vand.u32 $0xFFFFFF80, v1  }
0xc7: {  	s25 =	simm.s32 $0xC0A0;
	s24 =	simm.s32 $0x4;
	v17 =	vand.u32 $0xFFFFFF80, v8;
	v13 =	vadd.s32 v18, v31;
	v15 =	vadd.s32 v21, v32;
	[tilespmem:v29+s17+$0x0] =	vst.idx.msk $0xffff, v19  }
.LBB2_10:
0xc8: {  	v24 =	vld [tilespmem:s25+$0x10];
	v16 =	vadd.s32 v18, v16;
	v10 =	vmul.f32 $8.000000000e+00, v10;
	v17 =	vadd.s32 v23, v17;
	[tilespmem:v11+s17+$0x0] =	vst.idx.msk $0xffff, v19;
	s23 =	sadd.s32 $0x40, s23  }
0xc9: {  	v18 =	vadd.s32 v21, v20;
	v7 =	vand.u32 $0x7F, v7;
	v19 =	vadd.s32 v23, v22;
	v11 =	vld [tilespmem:s23+$0x10];
	[tilespmem:v4+s17+$0x0] =	vst.idx.msk $0xffff, v14  }
0xca: {  	s24 =	sadd.s32 $0x4, s24;
	v8 =	vand.u32 $0x7F, v8;
	v4 =	vand.u32 $0x7F, v1;
	v9 =	vmul.f32 $8.000000000e+00, v9;
	v1 =	vld [tilespmem:s23+$0xFFFFFFE0];
	[tilespmem:v2+s17+$0x0] =	vst.idx.msk $0xffff, v14  }
0xcb: {  	v5 =	vand.u32 $0x7F, v5;
	p1 =	slt.u32 s24, $0x1FC;
	v2 =	vor.u32 v12, v13;
	v12 =	vand.u32 $0x7F, v3;
	v14 =	vld [tilespmem:s25+$0xFFFFFFF0]  }
0xcc: {  	v4 =	vor.u32 v4, v16;
	v13 =	vor.u32 v7, v15;
	v15 =	vor.u32 v8, v17;
	v3 =	vld [tilespmem:s23+$0xFFFFFFF0]  }
0xcd: {  	v8 =	vor.u32 v12, v18;
	v12 =	vor.u32 v5, v19;
	v23 =	vld [tilespmem:s25+$0x0]  }
0xce: {  	v7 =	vand.u32 $0xFFFFFF80, v24;
	v5 =	vld [tilespmem:s23+$0x0];
	v16 =	vshll.u32 v11, $0x7  }
0xcf: {  	v19 =	vand.u32 $0x7F, v24;
	v17 =	vld [tilespmem:s25+$0xFFFFFFE0];
	v18 =	vshll.u32 v1, $0x7;
	v7 =	vadd.s32 v7, v16  }
0xd0: {  	v16 =	vand.u32 $0xFFFFFF80, v14;
	v20 =	vand.u32 $0x7F, v14;
	v19 =	vor.u32 v19, v7;
	v25 =	vld.idx.msk [tilespmem:v6+s13+$0x0], $0xffff  }
0xd1: {  	v26 =	vadd.s32 $0x40, v1;
	v6 =	vshll.u32 v3, $0x7;
	v7 =	vadd.s32 $0x40, v3  }
0xd2: {  	v6 =	vadd.s32 v16, v6;
	v16 =	vand.u32 $0xFFFFFF80, v23;
	v21 =	vand.u32 $0x7F, v23;
	[tilespmem:v8+s17+$0x0] =	vst.idx.msk $0xffff, v10  }
0xd3: {  	v6 =	vor.u32 v20, v6;
	v20 =	vshll.u32 v5, $0x7;
	v8 =	vadd.s32 $0x40, v5;
	[tilespmem:v13+s17+$0x0] =	vst.idx.msk $0xffff, v10  }
0xd4: {  	v10 =	vand.u32 $0xFFFFFF80, v17;
	v13 =	vand.u32 $0x7F, v17;
	v16 =	vadd.s32 v16, v20;
	[tilespmem:v12+s17+$0x0] =	vst.idx.msk $0xffff, v9  }
0xd5: {  	v27 =	vand.u32 $0xFFFFFF80, v26;
	v12 =	vadd.s32 v10, v18;
	v20 =	vor.u32 v21, v16;
	v19 =	vld.idx.msk [tilespmem:v19+s13+$0x0], $0xffff  }
0xd6: {  	v10 =	vand.u32 $0xFFFFFF80, v11;
	v16 =	vshll.u32 v24, $0x7;
	v18 =	vadd.s32 $0x40, v11;
	[tilespmem:v15+s17+$0x0] =	vst.idx.msk $0xffff, v9  }
0xd7: {  	v9 =	vand.u32 $0x7F, v11;
	v11 =	vadd.s32 v16, v10;
	v15 =	vand.u32 $0xFFFFFF80, v18  }
0xd8: {  	v24 =	vor.u32 v9, v11;
	v9 =	vand.u32 $0x7F, v18;
	v11 =	vadd.s32 v16, v15;
	v10 =	vld.idx.msk [tilespmem:v6+s13+$0x0], $0xffff  }
.Ltmp8:
0xd9: {  	v15 =	vand.u32 $0xFFFFFF80, v7;
	v6 =	vor.u32 v13, v12;
	v11 =	vor.u32 v9, v11;
	(pc) =	sbr.rel @p1 .LBB2_10-.Ltmp8, $4  }
0xda: {  	v16 =	vand.u32 $0xFFFFFF80, v1;
	v18 =	vshll.u32 v17, $0x7;
	v17 =	vand.u32 $0xFFFFFF80, v8;
	v9 =	vld.idx.msk [tilespmem:v20+s13+$0x0], $0xffff  }
0xdb: {  	v21 =	vshll.u32 v14, $0x7;
	v20 =	vand.u32 $0xFFFFFF80, v3;
	v19 =	vmul.f32 $8.000000000e+00, v19  }
0xdc: {  	v23 =	vshll.u32 v23, $0x7;
	v22 =	vand.u32 $0xFFFFFF80, v5;
	v14 =	vmul.f32 $8.000000000e+00, v25  }
0xdd: {  	s25 =	sadd.s32 $0x40, s25;
	v12 =	vand.u32 $0x7F, v26;
	v13 =	vadd.s32 v18, v27;
	v15 =	vadd.s32 v21, v15;
	[tilespmem:v24+s17+$0x0] =	vst.idx.msk $0xffff, v19  }
0xde: {  	_ = 	snop  }
0xdf: {  	v16 =	vadd.s32 v18, v16;
	v60 =	vadd.s32 v21, v20;
	v3 =	vand.u32 $0x7F, v3  }
0xe0: {  	v61 =	vadd.s32 v23, v22;
	v5 =	vand.u32 $0x7F, v5;
	v3 =	vor.u32 v3, v60  }
0xe1: {  	v17 =	vadd.s32 v23, v17;
	v7 =	vand.u32 $0x7F, v7;
	v5 =	vor.u32 v5, v61  }
0xe2: {  	[tilespmem:v11+s17+$0x0] =	vst.idx.msk $0xffff, v19;
	v8 =	vand.u32 $0x7F, v8;
	v6 =	vld.idx.msk [tilespmem:v6+s13+$0x0], $0xffff;
	v7 =	vor.u32 v7, v15  }
0xe3: {  	v10 =	vmul.f32 $8.000000000e+00, v10;
	[tilespmem:v4+s17+$0x0] =	vst.idx.msk $0xffff, v14;
	v1 =	vand.u32 $0x7F, v1;
	v62 =	vor.u32 v8, v17  }
0xe4: {  	[tilespmem:v2+s17+$0x0] =	vst.idx.msk $0xffff, v14;
	v1 =	vor.u32 v1, v16;
	v2 =	vmul.f32 $8.000000000e+00, v9  }
0xe5: {  	v63 =	vor.u32 v12, v13;
	[tilespmem:v3+s17+$0x0] =	vst.idx.msk $0xffff, v10  }
0xe6: {  	[tilespmem:v5+s17+$0x0] =	vst.idx.msk $0xffff, v2  }
0xe7: {  	v3 =	vmul.f32 $8.000000000e+00, v6;
	[tilespmem:v7+s17+$0x0] =	vst.idx.msk $0xffff, v10  }
0xe8: {  	[tilespmem:v62+s17+$0x0] =	vst.idx.msk $0xffff, v2  }
.Ltmp9:
0xe9: {  	s23 =	sshll.u32 s22, $0xB;
	p1 =	sgt.u32 s22, $0x1E43;
	[tilespmem:v1+s17+$0x0] =	vst.idx.msk $0xffff, v3;
	(pc) =	sbr.rel .LBB2_12-.Ltmp9, $4  }
0xea: {  	s23 =	sadd.s32 s3, s23;
	s22 =	sshll.u32 @!p1 s22, $0x7;
	s24 =	simm.s32 @!p1 $0x7A1400;
	[tilespmem:v63+s17+$0x0] =	vst.idx.msk $0xffff, v3  }
0xeb: {  	[hbm4b:s23+s4] =	stream.linear.scatter [tilespmem:s17], [sflag:$0x4], $0x4000, $0x38;
	[tilespmem:$0x10000] =	vst v63  }
0xec: {  	s25 =	simm.s32 @!p1 $0x2000;
	s22 =	sadd.s32 @!p1 s22, s8;
	s23 =	simm.s32 @!p1 $0x400  }
0xed: {  	[tilespmem:s25], [sflag:$0x2] =	stream.strided.gather @!p1 [hbm4b:s22+s23], $0x2000, s24, s23, $0x38;
	[tilespmem:$0x10000] =	vst v63  }
.LBB2_14:
0xee: {  	_ =	sfence.sel $0x180000  }
0xef: {  	[bflag:$0x0] =	sbarrier.arrive $0xFFFF  }
0xf0: {  	p0 =	sne.s32 s1, $0x0;
	_ =	strace $0x90000047  }
0xf1: {  	s0 =	sadd.s32 @!p0 $0x100000, s0;
	[bflag:$0x2] =	sbarrier.arrive $0xFFFF  }
0xf2: {  	[sflag:s0] =	ssyncadd.tile.s32 @!p0 $0x1;
	_ =	shalt  }
.Lfunc_end2:
_tile_overlayer_lowered:
.L_overlay_start_2:
0xf3: {  	(tag) =	ssettag $0x2  }
0xf4: {  	s0 =	rddreg [dreg:$0x0];
	s2 =	stileid.u32  }
0xf5: {  	s1 =	rddreg [dreg:$0x1];
	p0 =	sne.s32 s2, $0x0  }
0xf6: {  	s3 =	rddreg [dreg:$0x2];
	[bflag:$0x3] =	sbarrier.arrive $0xFFFF;
	s2 =	simm.s32 @!p0 $0x1C05  }
0xf7: {  	[timem:s3], [sflag:s2] =	dma.local @!p0 [hbm:s0], s1  }
0xf8: {  	s0 =	simm.s32 @!p0 $0x5  }
0xf9: {  	_ =	swait.ge @!p0 [sflag:s0], s1  }
0xfa: {  	s1 =	ssub.s32 @!p0 $0x0, s1;
	[sflag:s0] =	ssyncset.done @!p0 $0x0  }
0xfb: {  	[sflag:s0] =	ssyncadd.s32 @!p0 s1  }
0xfc: {  	[bflag:$0x3] =	sbarrier.arrive $0xFFFF  }
0xfd: {  	_ =	shalt  }

</sc_bundles>
